<compile_context>
chip_gen: v7x
topology: tpu7x:2x2x1
jax: 0.10.2.dev20260603
libtpu: 0.0.44.dev20260713+nightly
codegen_flags: <defaults>
</compile_context>

<pallas_src>
import jax
import jax.numpy as jnp
from jax import lax
from jax.experimental import pallas as pl
from jax.experimental.pallas import tpu as pltpu
from jax.experimental.pallas import tpu_sc as plsc

_NUM_CLASSES = 19
_ALPHA = 0.25
_B = 16
_H = 512
_W = 512
_CROWS = 64
_NCHUNK = (_H // 2) // _CROWS


def _sc_presence_body(t_hbm, out_hbm, buf0, buf1, accv, sem0, sem1):
    c = lax.axis_index("c")
    s = lax.axis_index("s")
    half = c * (_H // 2)
    out_row = c * 16 + s
    bufs = [buf0, buf1]
    sems = [sem0, sem1]
    cps = [None, None]
    cps[0] = pltpu.async_copy(t_hbm.at[s, pl.ds(half, _CROWS), :], buf0, sem0)
    one = jnp.full((16,), 1, dtype=jnp.int32)
    acc0 = jnp.zeros((16,), jnp.int32)
    acc1 = jnp.zeros((16,), jnp.int32)
    for k in range(_NCHUNK):
        if k + 1 < _NCHUNK:
            nb = (k + 1) % 2
            cps[nb] = pltpu.async_copy(
                t_hbm.at[s, pl.ds(half + (k + 1) * _CROWS, _CROWS), :],
                bufs[nb], sems[nb])
        cps[k % 2].wait()
        buf = bufs[k % 2]

        def _chunk_loop(i, carry, buf=buf):
            a0, a1 = carry
            for jj in range(_W // 32):
                v0 = buf[i, pl.ds(jj * 32, 16)]
                v1 = buf[i, pl.ds(jj * 32 + 16, 16)]
                a0 = a0 | (one << v0)
                a1 = a1 | (one << v1)
            return (a0, a1)

        acc0, acc1 = plsc.parallel_loop(
            0, _CROWS, unroll=2, carry=(acc0, acc1))(_chunk_loop)
    accv[...] = acc0 | acc1
    pltpu.sync_copy(accv, out_hbm.at[out_row])


_sc_presence = pl.kernel(
    _sc_presence_body,
    out_type=jax.ShapeDtypeStruct((2 * 16, 16), jnp.int32),
    mesh=plsc.VectorSubcoreMesh(core_axis_name="c", subcore_axis_name="s"),
    compiler_params=pltpu.CompilerParams(use_tc_tiling_on_sc=True),
    scratch_types=[
        pltpu.VMEM((_CROWS, _W), jnp.int32),
        pltpu.VMEM((_CROWS, _W), jnp.int32),
        pltpu.VMEM((16,), jnp.int32),
        pltpu.SemaphoreType.DMA,
        pltpu.SemaphoreType.DMA,
    ],
)


def _bce_body(pred_ref, masks_ref, out_ref):
    m = masks_ref[...]
    m = m[0:16, :] | m[16:32, :]
    m = m[:, 0:8] | m[:, 8:16]
    m = m[:, 0:4] | m[:, 4:8]
    m = m[:, 0:2] | m[:, 2:4]
    m = m[:, 0:1] | m[:, 1:2]
    cls = lax.broadcasted_iota(jnp.int32, (_B, _NUM_CLASSES), 1)
    enc = ((m >> cls) & 1).astype(jnp.float32)
    x = pred_ref[...]
    terms = jnp.maximum(x, 0.0) - x * enc + jnp.log1p(jnp.exp(-jnp.abs(x)))
    total = (_ALPHA / (_B * _NUM_CLASSES)) * jnp.sum(terms)
    out_ref[...] = jnp.reshape(total, (1, 1))


_bce_call = pl.pallas_call(
    _bce_body,
    out_shape=jax.ShapeDtypeStruct((1, 1), jnp.float32),
)


def kernel(predictions, targets):
    masks = _sc_presence(targets)
    res = _bce_call(predictions, masks)
    return res[0, 0]

# --- scband reference (transcript-rebuilt; emitter-appended) ---
"""Pipeline reference for scband-semantic-encoding-loss-3882650436025 (READ-ONLY COPY).

The authoritative reference and input builder live on the scoring server;
editing this copy changes nothing except your own understanding.
"""

import jax, jax.numpy as jnp
import numpy as np

NUM_CLASSES = 19
IGNORE_LABEL = 250
ALPHA = 0.25


def setup_inputs(seed: int = 0) -> dict:
    key = jax.random.key(seed)
    k1, k2 = jax.random.split(key)
    predictions = jax.random.normal(k1, (16, NUM_CLASSES), dtype=jnp.float32)
    targets = jax.random.randint(k2, (16, 512, 512), 0, 19, dtype=jnp.int32)
    return {"predictions": predictions, "targets": targets}


def _unique_encode(targets):
    # targets: int[N, H, W] -> encode: float32[N, NUM_CLASSES] with 1.0 where class present
    B = targets.shape[0]
    t = targets.reshape(B, -1)
    valid = (t >= 0) & (t != IGNORE_LABEL)
    t_clipped = jnp.where(valid, t, 0)
    rows = jnp.arange(B)[:, None]
    encode = jnp.zeros((B, NUM_CLASSES), dtype=jnp.float32).at[rows, t_clipped].max(
        valid.astype(jnp.float32)
    )
    return encode


def _bce_with_logits_mean(x, y):
    # numerically stable binary_cross_entropy_with_logits, mean reduction
    return jnp.mean(jnp.maximum(x, 0.0) - x * y + jnp.log1p(jnp.exp(-jnp.abs(x))))


def reference(predictions, targets):
    enc_targets = _unique_encode(targets)
    se_loss = _bce_with_logits_mean(predictions, enc_targets)
    return ALPHA * se_loss

if __name__ == "__main__":
    import jax
    _d = setup_inputs()
    print(jax.jit(kernel)(*tuple(_d.values())))

</pallas_src>

<mosaic_0001>
#map = affine_map<(d0, d1) -> (0, 0, 0)>
#map1 = affine_map<(d0, d1) -> (0, 0)>
module attributes {stable_mosaic.version = 14 : i64} {
  func.func @_sc_presence_body(%arg0: i32, %arg1: i32, %arg2: memref<16x512x512xi32, #tpu.memory_space<hbm>>, %arg3: memref<32x16xi32, #tpu.memory_space<hbm>>, %arg4: memref<64x512xi32, #tpu.memory_space<vmem>>, %arg5: memref<64x512xi32, #tpu.memory_space<vmem>>, %arg6: memref<16xi32, #tpu.memory_space<vmem>>, %arg7: memref<!tpu.dma_semaphore, #tpu.memory_space<semaphore_mem>>, %arg8: memref<!tpu.dma_semaphore, #tpu.memory_space<semaphore_mem>>) attributes {dimension_semantics = [#tpu.dimension_semantics<core_parallel>, #tpu.dimension_semantics<subcore_parallel>], iteration_bounds = array<i64: 2, 16>, scalar_prefetch = 0 : i64, scratch_operands = 5 : i64, tpu.core_type = #tpu.core_type<sc_vector_subcore>, window_params = [{transform_indices = #map}, {transform_indices = #map1}]} {
    %mul3A = arith.constant 256 : i32
    %mul3A_0 = arith.muli %arg0, %mul3A : i32
    %mul3A_1 = arith.constant 16 : i32
    %mul3A_2 = arith.muli %arg0, %mul3A_1 : i32
    %add3A = arith.addi %mul3A_2, %arg1 : i32
    %dma_start3A = arith.constant 0 : i32
    %dma_start3A_3 = tpu.memref_slice %arg2[%arg1, %mul3A_0, %dma_start3A] : memref<16x512x512xi32, #tpu.memory_space<hbm>> -> memref<1x64x512xi32, #tpu.memory_space<hbm>>
    %dma_start3A_4 = tpu.memref_squeeze %dma_start3A_3 : memref<1x64x512xi32, #tpu.memory_space<hbm>> -> memref<64x512xi32, #tpu.memory_space<hbm>>
    %dma_start3A_5 = arith.constant 0 : i32
    %dma_start3A_6 = tpu.memref_slice %arg2[%arg1, %mul3A_0, %dma_start3A_5] : memref<16x512x512xi32, #tpu.memory_space<hbm>> -> memref<1x64x512xi32, #tpu.memory_space<hbm>>
    %dma_start3A_7 = tpu.memref_squeeze %dma_start3A_6 : memref<1x64x512xi32, #tpu.memory_space<hbm>> -> memref<64x512xi32, #tpu.memory_space<hbm>>
    tpu.enqueue_dma source(%dma_start3A_7 : memref<64x512xi32, #tpu.memory_space<hbm>>) target(%arg4 : memref<64x512xi32, #tpu.memory_space<vmem>>) target_semaphore(%arg7 : memref<!tpu.dma_semaphore, #tpu.memory_space<semaphore_mem>>)
    %broadcast_in_dim3A = arith.constant 1 : i32
    %broadcast_in_dim3A_8 = vector.broadcast %broadcast_in_dim3A : i32 to vector<16xi32>
    %broadcast_in_dim3A_9 = arith.constant 0 : i32
    %broadcast_in_dim3A_10 = vector.broadcast %broadcast_in_dim3A_9 : i32 to vector<16xi32>
    %broadcast_in_dim3A_11 = arith.constant 0 : i32
    %broadcast_in_dim3A_12 = vector.broadcast %broadcast_in_dim3A_11 : i32 to vector<16xi32>
    %add3A_13 = arith.constant 64 : i32
    %add3A_14 = arith.addi %mul3A_0, %add3A_13 : i32
    %dma_start3A_15 = arith.constant 0 : i32
    %dma_start3A_16 = tpu.memref_slice %arg2[%arg1, %add3A_14, %dma_start3A_15] : memref<16x512x512xi32, #tpu.memory_space<hbm>> -> memref<1x64x512xi32, #tpu.memory_space<hbm>>
    %dma_start3A_17 = tpu.memref_squeeze %dma_start3A_16 : memref<1x64x512xi32, #tpu.memory_space<hbm>> -> memref<64x512xi32, #tpu.memory_space<hbm>>
    %dma_start3A_18 = arith.constant 0 : i32
    %dma_start3A_19 = tpu.memref_slice %arg2[%arg1, %add3A_14, %dma_start3A_18] : memref<16x512x512xi32, #tpu.memory_space<hbm>> -> memref<1x64x512xi32, #tpu.memory_space<hbm>>
    %dma_start3A_20 = tpu.memref_squeeze %dma_start3A_19 : memref<1x64x512xi32, #tpu.memory_space<hbm>> -> memref<64x512xi32, #tpu.memory_space<hbm>>
    tpu.enqueue_dma source(%dma_start3A_20 : memref<64x512xi32, #tpu.memory_space<hbm>>) target(%arg5 : memref<64x512xi32, #tpu.memory_space<vmem>>) target_semaphore(%arg8 : memref<!tpu.dma_semaphore, #tpu.memory_space<semaphore_mem>>)
    %dma_wait3A = arith.constant 0 : i32
    %dma_wait3A_21 = tpu.memref_slice %arg2[%arg1, %mul3A_0, %dma_wait3A] : memref<16x512x512xi32, #tpu.memory_space<hbm>> -> memref<1x64x512xi32, #tpu.memory_space<hbm>>
    %dma_wait3A_22 = tpu.memref_squeeze %dma_wait3A_21 : memref<1x64x512xi32, #tpu.memory_space<hbm>> -> memref<64x512xi32, #tpu.memory_space<hbm>>
    %dma_wait3A_23 = arith.constant 0 : i32
    %dma_wait3A_24 = tpu.memref_slice %arg2[%arg1, %mul3A_0, %dma_wait3A_23] : memref<16x512x512xi32, #tpu.memory_space<hbm>> -> memref<1x64x512xi32, #tpu.memory_space<hbm>>
    %dma_wait3A_25 = tpu.memref_squeeze %dma_wait3A_24 : memref<1x64x512xi32, #tpu.memory_space<hbm>> -> memref<64x512xi32, #tpu.memory_space<hbm>>
    tpu.wait_dma2 semaphore(%arg7 : memref<!tpu.dma_semaphore, #tpu.memory_space<semaphore_mem>>) src(%dma_wait3A_25 : memref<64x512xi32, #tpu.memory_space<hbm>>) dst(%arg4 : memref<64x512xi32, #tpu.memory_space<vmem>>)
    %parallel_loop3A = arith.constant 0 : i32
    %parallel_loop3A_26 = arith.constant 64 : i32
    %parallel_loop3A_27 = arith.constant 1 : i32
    %parallel_loop3A_28:2 = scf.for %parallel_loop3A_78 = %parallel_loop3A to %parallel_loop3A_26 step %parallel_loop3A_27 iter_args(%parallel_loop3A_79 = %broadcast_in_dim3A_10, %parallel_loop3A_80 = %broadcast_in_dim3A_12) -> (vector<16xi32>, vector<16xi32>)  : i32 {
      %parallel_loop3A_81 = arith.index_cast %parallel_loop3A_78 : i32 to index
      %parallel_loop3A_82 = arith.constant 0 : index
      %parallel_loop3A_83 = tpu.vector_load %arg4[%parallel_loop3A_81, %parallel_loop3A_82] {strides = array<i32>} : memref<64x512xi32, #tpu.memory_space<vmem>>, vector<1x16xi32>,
      %parallel_loop3A_84 = vector.shape_cast %parallel_loop3A_83 : vector<1x16xi32> to vector<16xi32>
      %parallel_loop3A_85 = arith.index_cast %parallel_loop3A_78 : i32 to index
      %parallel_loop3A_86 = arith.constant 16 : index
      %parallel_loop3A_87 = tpu.vector_load %arg4[%parallel_loop3A_85, %parallel_loop3A_86] {strides = array<i32>} : memref<64x512xi32, #tpu.memory_space<vmem>>, vector<1x16xi32>,
      %parallel_loop3A_88 = vector.shape_cast %parallel_loop3A_87 : vector<1x16xi32> to vector<16xi32>
      %parallel_loop3A_89 = arith.shli %broadcast_in_dim3A_8, %parallel_loop3A_84 : vector<16xi32>
      %parallel_loop3A_90 = arith.ori %parallel_loop3A_79, %parallel_loop3A_89 : vector<16xi32>
      %parallel_loop3A_91 = arith.shli %broadcast_in_dim3A_8, %parallel_loop3A_88 : vector<16xi32>
      %parallel_loop3A_92 = arith.ori %parallel_loop3A_80, %parallel_loop3A_91 : vector<16xi32>
      %parallel_loop3A_93 = arith.index_cast %parallel_loop3A_78 : i32 to index
      %parallel_loop3A_94 = arith.constant 32 : index
      %parallel_loop3A_95 = tpu.vector_load %arg4[%parallel_loop3A_93, %parallel_loop3A_94] {strides = array<i32>} : memref<64x512xi32, #tpu.memory_space<vmem>>, vector<1x16xi32>,
      %parallel_loop3A_96 = vector.shape_cast %parallel_loop3A_95 : vector<1x16xi32> to vector<16xi32>
      %parallel_loop3A_97 = arith.index_cast %parallel_loop3A_78 : i32 to index
      %parallel_loop3A_98 = arith.constant 48 : index
      %parallel_loop3A_99 = tpu.vector_load %arg4[%parallel_loop3A_97, %parallel_loop3A_98] {strides = array<i32>} : memref<64x512xi32, #tpu.memory_space<vmem>>, vector<1x16xi32>,
      %parallel_loop3A_100 = vector.shape_cast %parallel_loop3A_99 : vector<1x16xi32> to vector<16xi32>
      %parallel_loop3A_101 = arith.shli %broadcast_in_dim3A_8, %parallel_loop3A_96 : vector<16xi32>
      %parallel_loop3A_102 = arith.ori %parallel_loop3A_90, %parallel_loop3A_101 : vector<16xi32>
      %parallel_loop3A_103 = arith.shli %broadcast_in_dim3A_8, %parallel_loop3A_100 : vector<16xi32>
      %parallel_loop3A_104 = arith.ori %parallel_loop3A_92, %parallel_loop3A_103 : vector<16xi32>
      %parallel_loop3A_105 = arith.index_cast %parallel_loop3A_78 : i32 to index
      %parallel_loop3A_106 = arith.constant 64 : index
      %parallel_loop3A_107 = tpu.vector_load %arg4[%parallel_loop3A_105, %parallel_loop3A_106] {strides = array<i32>} : memref<64x512xi32, #tpu.memory_space<vmem>>, vector<1x16xi32>,
      %parallel_loop3A_108 = vector.shape_cast %parallel_loop3A_107 : vector<1x16xi32> to vector<16xi32>
      %parallel_loop3A_109 = arith.index_cast %parallel_loop3A_78 : i32 to index
      %parallel_loop3A_110 = arith.constant 80 : index
      %parallel_loop3A_111 = tpu.vector_load %arg4[%parallel_loop3A_109, %parallel_loop3A_110] {strides = array<i32>} : memref<64x512xi32, #tpu.memory_space<vmem>>, vector<1x16xi32>,
      %parallel_loop3A_112 = vector.shape_cast %parallel_loop3A_111 : vector<1x16xi32> to vector<16xi32>
      %parallel_loop3A_113 = arith.shli %broadcast_in_dim3A_8, %parallel_loop3A_108 : vector<16xi32>
      %parallel_loop3A_114 = arith.ori %parallel_loop3A_102, %parallel_loop3A_113 : vector<16xi32>
      %parallel_loop3A_115 = arith.shli %broadcast_in_dim3A_8, %parallel_loop3A_112 : vector<16xi32>
      %parallel_loop3A_116 = arith.ori %parallel_loop3A_104, %parallel_loop3A_115 : vector<16xi32>
      %parallel_loop3A_117 = arith.index_cast %parallel_loop3A_78 : i32 to index
      %parallel_loop3A_118 = arith.constant 96 : index
      %parallel_loop3A_119 = tpu.vector_load %arg4[%parallel_loop3A_117, %parallel_loop3A_118] {strides = array<i32>} : memref<64x512xi32, #tpu.memory_space<vmem>>, vector<1x16xi32>,
      %parallel_loop3A_120 = vector.shape_cast %parallel_loop3A_119 : vector<1x16xi32> to vector<16xi32>
      %parallel_loop3A_121 = arith.index_cast %parallel_loop3A_78 : i32 to index
      %parallel_loop3A_122 = arith.constant 112 : index
      %parallel_loop3A_123 = tpu.vector_load %arg4[%parallel_loop3A_121, %parallel_loop3A_122] {strides = array<i32>} : memref<64x512xi32, #tpu.memory_space<vmem>>, vector<1x16xi32>,
      %parallel_loop3A_124 = vector.shape_cast %parallel_loop3A_123 : vector<1x16xi32> to vector<16xi32>
      %parallel_loop3A_125 = arith.shli %broadcast_in_dim3A_8, %parallel_loop3A_120 : vector<16xi32>
      %parallel_loop3A_126 = arith.ori %parallel_loop3A_114, %parallel_loop3A_125 : vector<16xi32>
      %parallel_loop3A_127 = arith.shli %broadcast_in_dim3A_8, %parallel_loop3A_124 : vector<16xi32>
      %parallel_loop3A_128 = arith.ori %parallel_loop3A_116, %parallel_loop3A_127 : vector<16xi32>
      %parallel_loop3A_129 = arith.index_cast %parallel_loop3A_78 : i32 to index
      %parallel_loop3A_130 = arith.constant 128 : index
      %parallel_loop3A_131 = tpu.vector_load %arg4[%parallel_loop3A_129, %parallel_loop3A_130] {strides = array<i32>} : memref<64x512xi32, #tpu.memory_space<vmem>>, vector<1x16xi32>,
      %parallel_loop3A_132 = vector.shape_cast %parallel_loop3A_131 : vector<1x16xi32> to vector<16xi32>
      %parallel_loop3A_133 = arith.index_cast %parallel_loop3A_78 : i32 to index
      %parallel_loop3A_134 = arith.constant 144 : index
      %parallel_loop3A_135 = tpu.vector_load %arg4[%parallel_loop3A_133, %parallel_loop3A_134] {strides = array<i32>} : memref<64x512xi32, #tpu.memory_space<vmem>>, vector<1x16xi32>,
      %parallel_loop3A_136 = vector.shape_cast %parallel_loop3A_135 : vector<1x16xi32> to vector<16xi32>
      %parallel_loop3A_137 = arith.shli %broadcast_in_dim3A_8, %parallel_loop3A_132 : vector<16xi32>
      %parallel_loop3A_138 = arith.ori %parallel_loop3A_126, %parallel_loop3A_137 : vector<16xi32>
      %parallel_loop3A_139 = arith.shli %broadcast_in_dim3A_8, %parallel_loop3A_136 : vector<16xi32>
      %parallel_loop3A_140 = arith.ori %parallel_loop3A_128, %parallel_loop3A_139 : vector<16xi32>
      %parallel_loop3A_141 = arith.index_cast %parallel_loop3A_78 : i32 to index
      %parallel_loop3A_142 = arith.constant 160 : index
      %parallel_loop3A_143 = tpu.vector_load %arg4[%parallel_loop3A_141, %parallel_loop3A_142] {strides = array<i32>} : memref<64x512xi32, #tpu.memory_space<vmem>>, vector<1x16xi32>,
      %parallel_loop3A_144 = vector.shape_cast %parallel_loop3A_143 : vector<1x16xi32> to vector<16xi32>
      %parallel_loop3A_145 = arith.index_cast %parallel_loop3A_78 : i32 to index
      %parallel_loop3A_146 = arith.constant 176 : index
      %parallel_loop3A_147 = tpu.vector_load %arg4[%parallel_loop3A_145, %parallel_loop3A_146] {strides = array<i32>} : memref<64x512xi32, #tpu.memory_space<vmem>>, vector<1x16xi32>,
      %parallel_loop3A_148 = vector.shape_cast %parallel_loop3A_147 : vector<1x16xi32> to vector<16xi32>
      %parallel_loop3A_149 = arith.shli %broadcast_in_dim3A_8, %parallel_loop3A_144 : vector<16xi32>
      %parallel_loop3A_150 = arith.ori %parallel_loop3A_138, %parallel_loop3A_149 : vector<16xi32>
      %parallel_loop3A_151 = arith.shli %broadcast_in_dim3A_8, %parallel_loop3A_148 : vector<16xi32>
      %parallel_loop3A_152 = arith.ori %parallel_loop3A_140, %parallel_loop3A_151 : vector<16xi32>
      %parallel_loop3A_153 = arith.index_cast %parallel_loop3A_78 : i32 to index
      %parallel_loop3A_154 = arith.constant 192 : index
      %parallel_loop3A_155 = tpu.vector_load %arg4[%parallel_loop3A_153, %parallel_loop3A_154] {strides = array<i32>} : memref<64x512xi32, #tpu.memory_space<vmem>>, vector<1x16xi32>,
      %parallel_loop3A_156 = vector.shape_cast %parallel_loop3A_155 : vector<1x16xi32> to vector<16xi32>
      %parallel_loop3A_157 = arith.index_cast %parallel_loop3A_78 : i32 to index
      %parallel_loop3A_158 = arith.constant 208 : index
      %parallel_loop3A_159 = tpu.vector_load %arg4[%parallel_loop3A_157, %parallel_loop3A_158] {strides = array<i32>} : memref<64x512xi32, #tpu.memory_space<vmem>>, vector<1x16xi32>,
      %parallel_loop3A_160 = vector.shape_cast %parallel_loop3A_159 : vector<1x16xi32> to vector<16xi32>
      %parallel_loop3A_161 = arith.shli %broadcast_in_dim3A_8, %parallel_loop3A_156 : vector<16xi32>
      %parallel_loop3A_162 = arith.ori %parallel_loop3A_150, %parallel_loop3A_161 : vector<16xi32>
      %parallel_loop3A_163 = arith.shli %broadcast_in_dim3A_8, %parallel_loop3A_160 : vector<16xi32>
      %parallel_loop3A_164 = arith.ori %parallel_loop3A_152, %parallel_loop3A_163 : vector<16xi32>
      %parallel_loop3A_165 = arith.index_cast %parallel_loop3A_78 : i32 to index
      %parallel_loop3A_166 = arith.constant 224 : index
      %parallel_loop3A_167 = tpu.vector_load %arg4[%parallel_loop3A_165, %parallel_loop3A_166] {strides = array<i32>} : memref<64x512xi32, #tpu.memory_space<vmem>>, vector<1x16xi32>,
      %parallel_loop3A_168 = vector.shape_cast %parallel_loop3A_167 : vector<1x16xi32> to vector<16xi32>
      %parallel_loop3A_169 = arith.index_cast %parallel_loop3A_78 : i32 to index
      %parallel_loop3A_170 = arith.constant 240 : index
      %parallel_loop3A_171 = tpu.vector_load %arg4[%parallel_loop3A_169, %parallel_loop3A_170] {strides = array<i32>} : memref<64x512xi32, #tpu.memory_space<vmem>>, vector<1x16xi32>,
      %parallel_loop3A_172 = vector.shape_cast %parallel_loop3A_171 : vector<1x16xi32> to vector<16xi32>
      %parallel_loop3A_173 = arith.shli %broadcast_in_dim3A_8, %parallel_loop3A_168 : vector<16xi32>
      %parallel_loop3A_174 = arith.ori %parallel_loop3A_162, %parallel_loop3A_173 : vector<16xi32>
      %parallel_loop3A_175 = arith.shli %broadcast_in_dim3A_8, %parallel_loop3A_172 : vector<16xi32>
      %parallel_loop3A_176 = arith.ori %parallel_loop3A_164, %parallel_loop3A_175 : vector<16xi32>
      %parallel_loop3A_177 = arith.index_cast %parallel_loop3A_78 : i32 to index
      %parallel_loop3A_178 = arith.constant 256 : index
      %parallel_loop3A_179 = tpu.vector_load %arg4[%parallel_loop3A_177, %parallel_loop3A_178] {strides = array<i32>} : memref<64x512xi32, #tpu.memory_space<vmem>>, vector<1x16xi32>,
      %parallel_loop3A_180 = vector.shape_cast %parallel_loop3A_179 : vector<1x16xi32> to vector<16xi32>
      %parallel_loop3A_181 = arith.index_cast %parallel_loop3A_78 : i32 to index
      %parallel_loop3A_182 = arith.constant 272 : index
      %parallel_loop3A_183 = tpu.vector_load %arg4[%parallel_loop3A_181, %parallel_loop3A_182] {strides = array<i32>} : memref<64x512xi32, #tpu.memory_space<vmem>>, vector<1x16xi32>,
      %parallel_loop3A_184 = vector.shape_cast %parallel_loop3A_183 : vector<1x16xi32> to vector<16xi32>
      %parallel_loop3A_185 = arith.shli %broadcast_in_dim3A_8, %parallel_loop3A_180 : vector<16xi32>
      %parallel_loop3A_186 = arith.ori %parallel_loop3A_174, %parallel_loop3A_185 : vector<16xi32>
      %parallel_loop3A_187 = arith.shli %broadcast_in_dim3A_8, %parallel_loop3A_184 : vector<16xi32>
      %parallel_loop3A_188 = arith.ori %parallel_loop3A_176, %parallel_loop3A_187 : vector<16xi32>
      %parallel_loop3A_189 = arith.index_cast %parallel_loop3A_78 : i32 to index
      %parallel_loop3A_190 = arith.constant 288 : index
      %parallel_loop3A_191 = tpu.vector_load %arg4[%parallel_loop3A_189, %parallel_loop3A_190] {strides = array<i32>} : memref<64x512xi32, #tpu.memory_space<vmem>>, vector<1x16xi32>,
      %parallel_loop3A_192 = vector.shape_cast %parallel_loop3A_191 : vector<1x16xi32> to vector<16xi32>
      %parallel_loop3A_193 = arith.index_cast %parallel_loop3A_78 : i32 to index
      %parallel_loop3A_194 = arith.constant 304 : index
      %parallel_loop3A_195 = tpu.vector_load %arg4[%parallel_loop3A_193, %parallel_loop3A_194] {strides = array<i32>} : memref<64x512xi32, #tpu.memory_space<vmem>>, vector<1x16xi32>,
      %parallel_loop3A_196 = vector.shape_cast %parallel_loop3A_195 : vector<1x16xi32> to vector<16xi32>
      %parallel_loop3A_197 = arith.shli %broadcast_in_dim3A_8, %parallel_loop3A_192 : vector<16xi32>
      %parallel_loop3A_198 = arith.ori %parallel_loop3A_186, %parallel_loop3A_197 : vector<16xi32>
      %parallel_loop3A_199 = arith.shli %broadcast_in_dim3A_8, %parallel_loop3A_196 : vector<16xi32>
      %parallel_loop3A_200 = arith.ori %parallel_loop3A_188, %parallel_loop3A_199 : vector<16xi32>
      %parallel_loop3A_201 = arith.index_cast %parallel_loop3A_78 : i32 to index
      %parallel_loop3A_202 = arith.constant 320 : index
      %parallel_loop3A_203 = tpu.vector_load %arg4[%parallel_loop3A_201, %parallel_loop3A_202] {strides = array<i32>} : memref<64x512xi32, #tpu.memory_space<vmem>>, vector<1x16xi32>,
      %parallel_loop3A_204 = vector.shape_cast %parallel_loop3A_203 : vector<1x16xi32> to vector<16xi32>
      %parallel_loop3A_205 = arith.index_cast %parallel_loop3A_78 : i32 to index
      %parallel_loop3A_206 = arith.constant 336 : index
      %parallel_loop3A_207 = tpu.vector_load %arg4[%parallel_loop3A_205, %parallel_loop3A_206] {strides = array<i32>} : memref<64x512xi32, #tpu.memory_space<vmem>>, vector<1x16xi32>,
      %parallel_loop3A_208 = vector.shape_cast %parallel_loop3A_207 : vector<1x16xi32> to vector<16xi32>
      %parallel_loop3A_209 = arith.shli %broadcast_in_dim3A_8, %parallel_loop3A_204 : vector<16xi32>
      %parallel_loop3A_210 = arith.ori %parallel_loop3A_198, %parallel_loop3A_209 : vector<16xi32>
      %parallel_loop3A_211 = arith.shli %broadcast_in_dim3A_8, %parallel_loop3A_208 : vector<16xi32>
      %parallel_loop3A_212 = arith.ori %parallel_loop3A_200, %parallel_loop3A_211 : vector<16xi32>
      %parallel_loop3A_213 = arith.index_cast %parallel_loop3A_78 : i32 to index
      %parallel_loop3A_214 = arith.constant 352 : index
      %parallel_loop3A_215 = tpu.vector_load %arg4[%parallel_loop3A_213, %parallel_loop3A_214] {strides = array<i32>} : memref<64x512xi32, #tpu.memory_space<vmem>>, vector<1x16xi32>,
      %parallel_loop3A_216 = vector.shape_cast %parallel_loop3A_215 : vector<1x16xi32> to vector<16xi32>
      %parallel_loop3A_217 = arith.index_cast %parallel_loop3A_78 : i32 to index
      %parallel_loop3A_218 = arith.constant 368 : index
      %parallel_loop3A_219 = tpu.vector_load %arg4[%parallel_loop3A_217, %parallel_loop3A_218] {strides = array<i32>} : memref<64x512xi32, #tpu.memory_space<vmem>>, vector<1x16xi32>,
      %parallel_loop3A_220 = vector.shape_cast %parallel_loop3A_219 : vector<1x16xi32> to vector<16xi32>
      %parallel_loop3A_221 = arith.shli %broadcast_in_dim3A_8, %parallel_loop3A_216 : vector<16xi32>
      %parallel_loop3A_222 = arith.ori %parallel_loop3A_210, %parallel_loop3A_221 : vector<16xi32>
      %parallel_loop3A_223 = arith.shli %broadcast_in_dim3A_8, %parallel_loop3A_220 : vector<16xi32>
      %parallel_loop3A_224 = arith.ori %parallel_loop3A_212, %parallel_loop3A_223 : vector<16xi32>
      %parallel_loop3A_225 = arith.index_cast %parallel_loop3A_78 : i32 to index
      %parallel_loop3A_226 = arith.constant 384 : index
      %parallel_loop3A_227 = tpu.vector_load %arg4[%parallel_loop3A_225, %parallel_loop3A_226] {strides = array<i32>} : memref<64x512xi32, #tpu.memory_space<vmem>>, vector<1x16xi32>,
      %parallel_loop3A_228 = vector.shape_cast %parallel_loop3A_227 : vector<1x16xi32> to vector<16xi32>
      %parallel_loop3A_229 = arith.index_cast %parallel_loop3A_78 : i32 to index
      %parallel_loop3A_230 = arith.constant 400 : index
      %parallel_loop3A_231 = tpu.vector_load %arg4[%parallel_loop3A_229, %parallel_loop3A_230] {strides = array<i32>} : memref<64x512xi32, #tpu.memory_space<vmem>>, vector<1x16xi32>,
      %parallel_loop3A_232 = vector.shape_cast %parallel_loop3A_231 : vector<1x16xi32> to vector<16xi32>
      %parallel_loop3A_233 = arith.shli %broadcast_in_dim3A_8, %parallel_loop3A_228 : vector<16xi32>
      %parallel_loop3A_234 = arith.ori %parallel_loop3A_222, %parallel_loop3A_233 : vector<16xi32>
      %parallel_loop3A_235 = arith.shli %broadcast_in_dim3A_8, %parallel_loop3A_232 : vector<16xi32>
      %parallel_loop3A_236 = arith.ori %parallel_loop3A_224, %parallel_loop3A_235 : vector<16xi32>
      %parallel_loop3A_237 = arith.index_cast %parallel_loop3A_78 : i32 to index
      %parallel_loop3A_238 = arith.constant 416 : index
      %parallel_loop3A_239 = tpu.vector_load %arg4[%parallel_loop3A_237, %parallel_loop3A_238] {strides = array<i32>} : memref<64x512xi32, #tpu.memory_space<vmem>>, vector<1x16xi32>,
      %parallel_loop3A_240 = vector.shape_cast %parallel_loop3A_239 : vector<1x16xi32> to vector<16xi32>
      %parallel_loop3A_241 = arith.index_cast %parallel_loop3A_78 : i32 to index
      %parallel_loop3A_242 = arith.constant 432 : index
      %parallel_loop3A_243 = tpu.vector_load %arg4[%parallel_loop3A_241, %parallel_loop3A_242] {strides = array<i32>} : memref<64x512xi32, #tpu.memory_space<vmem>>, vector<1x16xi32>,
      %parallel_loop3A_244 = vector.shape_cast %parallel_loop3A_243 : vector<1x16xi32> to vector<16xi32>
      %parallel_loop3A_245 = arith.shli %broadcast_in_dim3A_8, %parallel_loop3A_240 : vector<16xi32>
      %parallel_loop3A_246 = arith.ori %parallel_loop3A_234, %parallel_loop3A_245 : vector<16xi32>
      %parallel_loop3A_247 = arith.shli %broadcast_in_dim3A_8, %parallel_loop3A_244 : vector<16xi32>
      %parallel_loop3A_248 = arith.ori %parallel_loop3A_236, %parallel_loop3A_247 : vector<16xi32>
      %parallel_loop3A_249 = arith.index_cast %parallel_loop3A_78 : i32 to index
      %parallel_loop3A_250 = arith.constant 448 : index
      %parallel_loop3A_251 = tpu.vector_load %arg4[%parallel_loop3A_249, %parallel_loop3A_250] {strides = array<i32>} : memref<64x512xi32, #tpu.memory_space<vmem>>, vector<1x16xi32>,
      %parallel_loop3A_252 = vector.shape_cast %parallel_loop3A_251 : vector<1x16xi32> to vector<16xi32>
      %parallel_loop3A_253 = arith.index_cast %parallel_loop3A_78 : i32 to index
      %parallel_loop3A_254 = arith.constant 464 : index
      %parallel_loop3A_255 = tpu.vector_load %arg4[%parallel_loop3A_253, %parallel_loop3A_254] {strides = array<i32>} : memref<64x512xi32, #tpu.memory_space<vmem>>, vector<1x16xi32>,
      %parallel_loop3A_256 = vector.shape_cast %parallel_loop3A_255 : vector<1x16xi32> to vector<16xi32>
      %parallel_loop3A_257 = arith.shli %broadcast_in_dim3A_8, %parallel_loop3A_252 : vector<16xi32>
      %parallel_loop3A_258 = arith.ori %parallel_loop3A_246, %parallel_loop3A_257 : vector<16xi32>
      %parallel_loop3A_259 = arith.shli %broadcast_in_dim3A_8, %parallel_loop3A_256 : vector<16xi32>
      %parallel_loop3A_260 = arith.ori %parallel_loop3A_248, %parallel_loop3A_259 : vector<16xi32>
      %parallel_loop3A_261 = arith.index_cast %parallel_loop3A_78 : i32 to index
      %parallel_loop3A_262 = arith.constant 480 : index
      %parallel_loop3A_263 = tpu.vector_load %arg4[%parallel_loop3A_261, %parallel_loop3A_262] {strides = array<i32>} : memref<64x512xi32, #tpu.memory_space<vmem>>, vector<1x16xi32>,
      %parallel_loop3A_264 = vector.shape_cast %parallel_loop3A_263 : vector<1x16xi32> to vector<16xi32>
      %parallel_loop3A_265 = arith.index_cast %parallel_loop3A_78 : i32 to index
      %parallel_loop3A_266 = arith.constant 496 : index
      %parallel_loop3A_267 = tpu.vector_load %arg4[%parallel_loop3A_265, %parallel_loop3A_266] {strides = array<i32>} : memref<64x512xi32, #tpu.memory_space<vmem>>, vector<1x16xi32>,
      %parallel_loop3A_268 = vector.shape_cast %parallel_loop3A_267 : vector<1x16xi32> to vector<16xi32>
      %parallel_loop3A_269 = arith.shli %broadcast_in_dim3A_8, %parallel_loop3A_264 : vector<16xi32>
      %parallel_loop3A_270 = arith.ori %parallel_loop3A_258, %parallel_loop3A_269 : vector<16xi32>
      %parallel_loop3A_271 = arith.shli %broadcast_in_dim3A_8, %parallel_loop3A_268 : vector<16xi32>
      %parallel_loop3A_272 = arith.ori %parallel_loop3A_260, %parallel_loop3A_271 : vector<16xi32>
      scf.yield %parallel_loop3A_270, %parallel_loop3A_272 : vector<16xi32>, vector<16xi32>
    } {sc.loop_unroll_factor = 2 : i64, sc.parallel_access}
    %add3A_29 = arith.constant 128 : i32
    %add3A_30 = arith.addi %mul3A_0, %add3A_29 : i32
    %dma_start3A_31 = arith.constant 0 : i32
    %dma_start3A_32 = tpu.memref_slice %arg2[%arg1, %add3A_30, %dma_start3A_31] : memref<16x512x512xi32, #tpu.memory_space<hbm>> -> memref<1x64x512xi32, #tpu.memory_space<hbm>>
    %dma_start3A_33 = tpu.memref_squeeze %dma_start3A_32 : memref<1x64x512xi32, #tpu.memory_space<hbm>> -> memref<64x512xi32, #tpu.memory_space<hbm>>
    %dma_start3A_34 = arith.constant 0 : i32
    %dma_start3A_35 = tpu.memref_slice %arg2[%arg1, %add3A_30, %dma_start3A_34] : memref<16x512x512xi32, #tpu.memory_space<hbm>> -> memref<1x64x512xi32, #tpu.memory_space<hbm>>
    %dma_start3A_36 = tpu.memref_squeeze %dma_start3A_35 : memref<1x64x512xi32, #tpu.memory_space<hbm>> -> memref<64x512xi32, #tpu.memory_space<hbm>>
    tpu.enqueue_dma source(%dma_start3A_36 : memref<64x512xi32, #tpu.memory_space<hbm>>) target(%arg4 : memref<64x512xi32, #tpu.memory_space<vmem>>) target_semaphore(%arg7 : memref<!tpu.dma_semaphore, #tpu.memory_space<semaphore_mem>>)
    %dma_wait3A_37 = arith.constant 0 : i32
    %dma_wait3A_38 = tpu.memref_slice %arg2[%arg1, %add3A_14, %dma_wait3A_37] : memref<16x512x512xi32, #tpu.memory_space<hbm>> -> memref<1x64x512xi32, #tpu.memory_space<hbm>>
    %dma_wait3A_39 = tpu.memref_squeeze %dma_wait3A_38 : memref<1x64x512xi32, #tpu.memory_space<hbm>> -> memref<64x512xi32, #tpu.memory_space<hbm>>
    %dma_wait3A_40 = arith.constant 0 : i32
    %dma_wait3A_41 = tpu.memref_slice %arg2[%arg1, %add3A_14, %dma_wait3A_40] : memref<16x512x512xi32, #tpu.memory_space<hbm>> -> memref<1x64x512xi32, #tpu.memory_space<hbm>>
    %dma_wait3A_42 = tpu.memref_squeeze %dma_wait3A_41 : memref<1x64x512xi32, #tpu.memory_space<hbm>> -> memref<64x512xi32, #tpu.memory_space<hbm>>
    tpu.wait_dma2 semaphore(%arg8 : memref<!tpu.dma_semaphore, #tpu.memory_space<semaphore_mem>>) src(%dma_wait3A_42 : memref<64x512xi32, #tpu.memory_space<hbm>>) dst(%arg5 : memref<64x512xi32, #tpu.memory_space<vmem>>)
    %parallel_loop3A_43 = arith.constant 0 : i32
    %parallel_loop3A_44 = arith.constant 64 : i32
    %parallel_loop3A_45 = arith.constant 1 : i32
    %parallel_loop3A_46:2 = scf.for %parallel_loop3A_78 = %parallel_loop3A_43 to %parallel_loop3A_44 step %parallel_loop3A_45 iter_args(%parallel_loop3A_79 = %parallel_loop3A_28#0, %parallel_loop3A_80 = %parallel_loop3A_28#1) -> (vector<16xi32>, vector<16xi32>)  : i32 {
      %parallel_loop3A_81 = arith.index_cast %parallel_loop3A_78 : i32 to index
      %parallel_loop3A_82 = arith.constant 0 : index
      %parallel_loop3A_83 = tpu.vector_load %arg5[%parallel_loop3A_81, %parallel_loop3A_82] {strides = array<i32>} : memref<64x512xi32, #tpu.memory_space<vmem>>, vector<1x16xi32>,
      %parallel_loop3A_84 = vector.shape_cast %parallel_loop3A_83 : vector<1x16xi32> to vector<16xi32>
      %parallel_loop3A_85 = arith.index_cast %parallel_loop3A_78 : i32 to index
      %parallel_loop3A_86 = arith.constant 16 : index
      %parallel_loop3A_87 = tpu.vector_load %arg5[%parallel_loop3A_85, %parallel_loop3A_86] {strides = array<i32>} : memref<64x512xi32, #tpu.memory_space<vmem>>, vector<1x16xi32>,
      %parallel_loop3A_88 = vector.shape_cast %parallel_loop3A_87 : vector<1x16xi32> to vector<16xi32>
      %parallel_loop3A_89 = arith.shli %broadcast_in_dim3A_8, %parallel_loop3A_84 : vector<16xi32>
      %parallel_loop3A_90 = arith.ori %parallel_loop3A_79, %parallel_loop3A_89 : vector<16xi32>
      %parallel_loop3A_91 = arith.shli %broadcast_in_dim3A_8, %parallel_loop3A_88 : vector<16xi32>
      %parallel_loop3A_92 = arith.ori %parallel_loop3A_80, %parallel_loop3A_91 : vector<16xi32>
      %parallel_loop3A_93 = arith.index_cast %parallel_loop3A_78 : i32 to index
      %parallel_loop3A_94 = arith.constant 32 : index
      %parallel_loop3A_95 = tpu.vector_load %arg5[%parallel_loop3A_93, %parallel_loop3A_94] {strides = array<i32>} : memref<64x512xi32, #tpu.memory_space<vmem>>, vector<1x16xi32>,
      %parallel_loop3A_96 = vector.shape_cast %parallel_loop3A_95 : vector<1x16xi32> to vector<16xi32>
      %parallel_loop3A_97 = arith.index_cast %parallel_loop3A_78 : i32 to index
      %parallel_loop3A_98 = arith.constant 48 : index
      %parallel_loop3A_99 = tpu.vector_load %arg5[%parallel_loop3A_97, %parallel_loop3A_98] {strides = array<i32>} : memref<64x512xi32, #tpu.memory_space<vmem>>, vector<1x16xi32>,
      %parallel_loop3A_100 = vector.shape_cast %parallel_loop3A_99 : vector<1x16xi32> to vector<16xi32>
      %parallel_loop3A_101 = arith.shli %broadcast_in_dim3A_8, %parallel_loop3A_96 : vector<16xi32>
      %parallel_loop3A_102 = arith.ori %parallel_loop3A_90, %parallel_loop3A_101 : vector<16xi32>
      %parallel_loop3A_103 = arith.shli %broadcast_in_dim3A_8, %parallel_loop3A_100 : vector<16xi32>
      %parallel_loop3A_104 = arith.ori %parallel_loop3A_92, %parallel_loop3A_103 : vector<16xi32>
      %parallel_loop3A_105 = arith.index_cast %parallel_loop3A_78 : i32 to index
      %parallel_loop3A_106 = arith.constant 64 : index
      %parallel_loop3A_107 = tpu.vector_load %arg5[%parallel_loop3A_105, %parallel_loop3A_106] {strides = array<i32>} : memref<64x512xi32, #tpu.memory_space<vmem>>, vector<1x16xi32>,
      %parallel_loop3A_108 = vector.shape_cast %parallel_loop3A_107 : vector<1x16xi32> to vector<16xi32>
      %parallel_loop3A_109 = arith.index_cast %parallel_loop3A_78 : i32 to index
      %parallel_loop3A_110 = arith.constant 80 : index
      %parallel_loop3A_111 = tpu.vector_load %arg5[%parallel_loop3A_109, %parallel_loop3A_110] {strides = array<i32>} : memref<64x512xi32, #tpu.memory_space<vmem>>, vector<1x16xi32>,
      %parallel_loop3A_112 = vector.shape_cast %parallel_loop3A_111 : vector<1x16xi32> to vector<16xi32>
      %parallel_loop3A_113 = arith.shli %broadcast_in_dim3A_8, %parallel_loop3A_108 : vector<16xi32>
      %parallel_loop3A_114 = arith.ori %parallel_loop3A_102, %parallel_loop3A_113 : vector<16xi32>
      %parallel_loop3A_115 = arith.shli %broadcast_in_dim3A_8, %parallel_loop3A_112 : vector<16xi32>
      %parallel_loop3A_116 = arith.ori %parallel_loop3A_104, %parallel_loop3A_115 : vector<16xi32>
      %parallel_loop3A_117 = arith.index_cast %parallel_loop3A_78 : i32 to index
      %parallel_loop3A_118 = arith.constant 96 : index
      %parallel_loop3A_119 = tpu.vector_load %arg5[%parallel_loop3A_117, %parallel_loop3A_118] {strides = array<i32>} : memref<64x512xi32, #tpu.memory_space<vmem>>, vector<1x16xi32>,
      %parallel_loop3A_120 = vector.shape_cast %parallel_loop3A_119 : vector<1x16xi32> to vector<16xi32>
      %parallel_loop3A_121 = arith.index_cast %parallel_loop3A_78 : i32 to index
      %parallel_loop3A_122 = arith.constant 112 : index
      %parallel_loop3A_123 = tpu.vector_load %arg5[%parallel_loop3A_121, %parallel_loop3A_122] {strides = array<i32>} : memref<64x512xi32, #tpu.memory_space<vmem>>, vector<1x16xi32>,
      %parallel_loop3A_124 = vector.shape_cast %parallel_loop3A_123 : vector<1x16xi32> to vector<16xi32>
      %parallel_loop3A_125 = arith.shli %broadcast_in_dim3A_8, %parallel_loop3A_120 : vector<16xi32>
      %parallel_loop3A_126 = arith.ori %parallel_loop3A_114, %parallel_loop3A_125 : vector<16xi32>
      %parallel_loop3A_127 = arith.shli %broadcast_in_dim3A_8, %parallel_loop3A_124 : vector<16xi32>
      %parallel_loop3A_128 = arith.ori %parallel_loop3A_116, %parallel_loop3A_127 : vector<16xi32>
      %parallel_loop3A_129 = arith.index_cast %parallel_loop3A_78 : i32 to index
      %parallel_loop3A_130 = arith.constant 128 : index
      %parallel_loop3A_131 = tpu.vector_load %arg5[%parallel_loop3A_129, %parallel_loop3A_130] {strides = array<i32>} : memref<64x512xi32, #tpu.memory_space<vmem>>, vector<1x16xi32>,
      %parallel_loop3A_132 = vector.shape_cast %parallel_loop3A_131 : vector<1x16xi32> to vector<16xi32>
      %parallel_loop3A_133 = arith.index_cast %parallel_loop3A_78 : i32 to index
      %parallel_loop3A_134 = arith.constant 144 : index
      %parallel_loop3A_135 = tpu.vector_load %arg5[%parallel_loop3A_133, %parallel_loop3A_134] {strides = array<i32>} : memref<64x512xi32, #tpu.memory_space<vmem>>, vector<1x16xi32>,
      %parallel_loop3A_136 = vector.shape_cast %parallel_loop3A_135 : vector<1x16xi32> to vector<16xi32>
      %parallel_loop3A_137 = arith.shli %broadcast_in_dim3A_8, %parallel_loop3A_132 : vector<16xi32>
      %parallel_loop3A_138 = arith.ori %parallel_loop3A_126, %parallel_loop3A_137 : vector<16xi32>
      %parallel_loop3A_139 = arith.shli %broadcast_in_dim3A_8, %parallel_loop3A_136 : vector<16xi32>
      %parallel_loop3A_140 = arith.ori %parallel_loop3A_128, %parallel_loop3A_139 : vector<16xi32>
      %parallel_loop3A_141 = arith.index_cast %parallel_loop3A_78 : i32 to index
      %parallel_loop3A_142 = arith.constant 160 : index
      %parallel_loop3A_143 = tpu.vector_load %arg5[%parallel_loop3A_141, %parallel_loop3A_142] {strides = array<i32>} : memref<64x512xi32, #tpu.memory_space<vmem>>, vector<1x16xi32>,
      %parallel_loop3A_144 = vector.shape_cast %parallel_loop3A_143 : vector<1x16xi32> to vector<16xi32>
      %parallel_loop3A_145 = arith.index_cast %parallel_loop3A_78 : i32 to index
      %parallel_loop3A_146 = arith.constant 176 : index
      %parallel_loop3A_147 = tpu.vector_load %arg5[%parallel_loop3A_145, %parallel_loop3A_146] {strides = array<i32>} : memref<64x512xi32, #tpu.memory_space<vmem>>, vector<1x16xi32>,
      %parallel_loop3A_148 = vector.shape_cast %parallel_loop3A_147 : vector<1x16xi32> to vector<16xi32>
      %parallel_loop3A_149 = arith.shli %broadcast_in_dim3A_8, %parallel_loop3A_144 : vector<16xi32>
      %parallel_loop3A_150 = arith.ori %parallel_loop3A_138, %parallel_loop3A_149 : vector<16xi32>
      %parallel_loop3A_151 = arith.shli %broadcast_in_dim3A_8, %parallel_loop3A_148 : vector<16xi32>
      %parallel_loop3A_152 = arith.ori %parallel_loop3A_140, %parallel_loop3A_151 : vector<16xi32>
      %parallel_loop3A_153 = arith.index_cast %parallel_loop3A_78 : i32 to index
      %parallel_loop3A_154 = arith.constant 192 : index
      %parallel_loop3A_155 = tpu.vector_load %arg5[%parallel_loop3A_153, %parallel_loop3A_154] {strides = array<i32>} : memref<64x512xi32, #tpu.memory_space<vmem>>, vector<1x16xi32>,
      %parallel_loop3A_156 = vector.shape_cast %parallel_loop3A_155 : vector<1x16xi32> to vector<16xi32>
      %parallel_loop3A_157 = arith.index_cast %parallel_loop3A_78 : i32 to index
      %parallel_loop3A_158 = arith.constant 208 : index
      %parallel_loop3A_159 = tpu.vector_load %arg5[%parallel_loop3A_157, %parallel_loop3A_158] {strides = array<i32>} : memref<64x512xi32, #tpu.memory_space<vmem>>, vector<1x16xi32>,
      %parallel_loop3A_160 = vector.shape_cast %parallel_loop3A_159 : vector<1x16xi32> to vector<16xi32>
      %parallel_loop3A_161 = arith.shli %broadcast_in_dim3A_8, %parallel_loop3A_156 : vector<16xi32>
      %parallel_loop3A_162 = arith.ori %parallel_loop3A_150, %parallel_loop3A_161 : vector<16xi32>
      %parallel_loop3A_163 = arith.shli %broadcast_in_dim3A_8, %parallel_loop3A_160 : vector<16xi32>
      %parallel_loop3A_164 = arith.ori %parallel_loop3A_152, %parallel_loop3A_163 : vector<16xi32>
      %parallel_loop3A_165 = arith.index_cast %parallel_loop3A_78 : i32 to index
      %parallel_loop3A_166 = arith.constant 224 : index
      %parallel_loop3A_167 = tpu.vector_load %arg5[%parallel_loop3A_165, %parallel_loop3A_166] {strides = array<i32>} : memref<64x512xi32, #tpu.memory_space<vmem>>, vector<1x16xi32>,
      %parallel_loop3A_168 = vector.shape_cast %parallel_loop3A_167 : vector<1x16xi32> to vector<16xi32>
      %parallel_loop3A_169 = arith.index_cast %parallel_loop3A_78 : i32 to index
      %parallel_loop3A_170 = arith.constant 240 : index
      %parallel_loop3A_171 = tpu.vector_load %arg5[%parallel_loop3A_169, %parallel_loop3A_170] {strides = array<i32>} : memref<64x512xi32, #tpu.memory_space<vmem>>, vector<1x16xi32>,
      %parallel_loop3A_172 = vector.shape_cast %parallel_loop3A_171 : vector<1x16xi32> to vector<16xi32>
      %parallel_loop3A_173 = arith.shli %broadcast_in_dim3A_8, %parallel_loop3A_168 : vector<16xi32>
      %parallel_loop3A_174 = arith.ori %parallel_loop3A_162, %parallel_loop3A_173 : vector<16xi32>
      %parallel_loop3A_175 = arith.shli %broadcast_in_dim3A_8, %parallel_loop3A_172 : vector<16xi32>
      %parallel_loop3A_176 = arith.ori %parallel_loop3A_164, %parallel_loop3A_175 : vector<16xi32>
      %parallel_loop3A_177 = arith.index_cast %parallel_loop3A_78 : i32 to index
      %parallel_loop3A_178 = arith.constant 256 : index
      %parallel_loop3A_179 = tpu.vector_load %arg5[%parallel_loop3A_177, %parallel_loop3A_178] {strides = array<i32>} : memref<64x512xi32, #tpu.memory_space<vmem>>, vector<1x16xi32>,
      %parallel_loop3A_180 = vector.shape_cast %parallel_loop3A_179 : vector<1x16xi32> to vector<16xi32>
      %parallel_loop3A_181 = arith.index_cast %parallel_loop3A_78 : i32 to index
      %parallel_loop3A_182 = arith.constant 272 : index
      %parallel_loop3A_183 = tpu.vector_load %arg5[%parallel_loop3A_181, %parallel_loop3A_182] {strides = array<i32>} : memref<64x512xi32, #tpu.memory_space<vmem>>, vector<1x16xi32>,
      %parallel_loop3A_184 = vector.shape_cast %parallel_loop3A_183 : vector<1x16xi32> to vector<16xi32>
      %parallel_loop3A_185 = arith.shli %broadcast_in_dim3A_8, %parallel_loop3A_180 : vector<16xi32>
      %parallel_loop3A_186 = arith.ori %parallel_loop3A_174, %parallel_loop3A_185 : vector<16xi32>
      %parallel_loop3A_187 = arith.shli %broadcast_in_dim3A_8, %parallel_loop3A_184 : vector<16xi32>
      %parallel_loop3A_188 = arith.ori %parallel_loop3A_176, %parallel_loop3A_187 : vector<16xi32>
      %parallel_loop3A_189 = arith.index_cast %parallel_loop3A_78 : i32 to index
      %parallel_loop3A_190 = arith.constant 288 : index
      %parallel_loop3A_191 = tpu.vector_load %arg5[%parallel_loop3A_189, %parallel_loop3A_190] {strides = array<i32>} : memref<64x512xi32, #tpu.memory_space<vmem>>, vector<1x16xi32>,
      %parallel_loop3A_192 = vector.shape_cast %parallel_loop3A_191 : vector<1x16xi32> to vector<16xi32>
      %parallel_loop3A_193 = arith.index_cast %parallel_loop3A_78 : i32 to index
      %parallel_loop3A_194 = arith.constant 304 : index
      %parallel_loop3A_195 = tpu.vector_load %arg5[%parallel_loop3A_193, %parallel_loop3A_194] {strides = array<i32>} : memref<64x512xi32, #tpu.memory_space<vmem>>, vector<1x16xi32>,
      %parallel_loop3A_196 = vector.shape_cast %parallel_loop3A_195 : vector<1x16xi32> to vector<16xi32>
      %parallel_loop3A_197 = arith.shli %broadcast_in_dim3A_8, %parallel_loop3A_192 : vector<16xi32>
      %parallel_loop3A_198 = arith.ori %parallel_loop3A_186, %parallel_loop3A_197 : vector<16xi32>
      %parallel_loop3A_199 = arith.shli %broadcast_in_dim3A_8, %parallel_loop3A_196 : vector<16xi32>
      %parallel_loop3A_200 = arith.ori %parallel_loop3A_188, %parallel_loop3A_199 : vector<16xi32>
      %parallel_loop3A_201 = arith.index_cast %parallel_loop3A_78 : i32 to index
      %parallel_loop3A_202 = arith.constant 320 : index
      %parallel_loop3A_203 = tpu.vector_load %arg5[%parallel_loop3A_201, %parallel_loop3A_202] {strides = array<i32>} : memref<64x512xi32, #tpu.memory_space<vmem>>, vector<1x16xi32>,
      %parallel_loop3A_204 = vector.shape_cast %parallel_loop3A_203 : vector<1x16xi32> to vector<16xi32>
      %parallel_loop3A_205 = arith.index_cast %parallel_loop3A_78 : i32 to index
      %parallel_loop3A_206 = arith.constant 336 : index
      %parallel_loop3A_207 = tpu.vector_load %arg5[%parallel_loop3A_205, %parallel_loop3A_206] {strides = array<i32>} : memref<64x512xi32, #tpu.memory_space<vmem>>, vector<1x16xi32>,
      %parallel_loop3A_208 = vector.shape_cast %parallel_loop3A_207 : vector<1x16xi32> to vector<16xi32>
      %parallel_loop3A_209 = arith.shli %broadcast_in_dim3A_8, %parallel_loop3A_204 : vector<16xi32>
      %parallel_loop3A_210 = arith.ori %parallel_loop3A_198, %parallel_loop3A_209 : vector<16xi32>
      %parallel_loop3A_211 = arith.shli %broadcast_in_dim3A_8, %parallel_loop3A_208 : vector<16xi32>
      %parallel_loop3A_212 = arith.ori %parallel_loop3A_200, %parallel_loop3A_211 : vector<16xi32>
      %parallel_loop3A_213 = arith.index_cast %parallel_loop3A_78 : i32 to index
      %parallel_loop3A_214 = arith.constant 352 : index
      %parallel_loop3A_215 = tpu.vector_load %arg5[%parallel_loop3A_213, %parallel_loop3A_214] {strides = array<i32>} : memref<64x512xi32, #tpu.memory_space<vmem>>, vector<1x16xi32>,
      %parallel_loop3A_216 = vector.shape_cast %parallel_loop3A_215 : vector<1x16xi32> to vector<16xi32>
      %parallel_loop3A_217 = arith.index_cast %parallel_loop3A_78 : i32 to index
      %parallel_loop3A_218 = arith.constant 368 : index
      %parallel_loop3A_219 = tpu.vector_load %arg5[%parallel_loop3A_217, %parallel_loop3A_218] {strides = array<i32>} : memref<64x512xi32, #tpu.memory_space<vmem>>, vector<1x16xi32>,
      %parallel_loop3A_220 = vector.shape_cast %parallel_loop3A_219 : vector<1x16xi32> to vector<16xi32>
      %parallel_loop3A_221 = arith.shli %broadcast_in_dim3A_8, %parallel_loop3A_216 : vector<16xi32>
      %parallel_loop3A_222 = arith.ori %parallel_loop3A_210, %parallel_loop3A_221 : vector<16xi32>
      %parallel_loop3A_223 = arith.shli %broadcast_in_dim3A_8, %parallel_loop3A_220 : vector<16xi32>
      %parallel_loop3A_224 = arith.ori %parallel_loop3A_212, %parallel_loop3A_223 : vector<16xi32>
      %parallel_loop3A_225 = arith.index_cast %parallel_loop3A_78 : i32 to index
      %parallel_loop3A_226 = arith.constant 384 : index
      %parallel_loop3A_227 = tpu.vector_load %arg5[%parallel_loop3A_225, %parallel_loop3A_226] {strides = array<i32>} : memref<64x512xi32, #tpu.memory_space<vmem>>, vector<1x16xi32>,
      %parallel_loop3A_228 = vector.shape_cast %parallel_loop3A_227 : vector<1x16xi32> to vector<16xi32>
      %parallel_loop3A_229 = arith.index_cast %parallel_loop3A_78 : i32 to index
      %parallel_loop3A_230 = arith.constant 400 : index
      %parallel_loop3A_231 = tpu.vector_load %arg5[%parallel_loop3A_229, %parallel_loop3A_230] {strides = array<i32>} : memref<64x512xi32, #tpu.memory_space<vmem>>, vector<1x16xi32>,
      %parallel_loop3A_232 = vector.shape_cast %parallel_loop3A_231 : vector<1x16xi32> to vector<16xi32>
      %parallel_loop3A_233 = arith.shli %broadcast_in_dim3A_8, %parallel_loop3A_228 : vector<16xi32>
      %parallel_loop3A_234 = arith.ori %parallel_loop3A_222, %parallel_loop3A_233 : vector<16xi32>
      %parallel_loop3A_235 = arith.shli %broadcast_in_dim3A_8, %parallel_loop3A_232 : vector<16xi32>
      %parallel_loop3A_236 = arith.ori %parallel_loop3A_224, %parallel_loop3A_235 : vector<16xi32>
      %parallel_loop3A_237 = arith.index_cast %parallel_loop3A_78 : i32 to index
      %parallel_loop3A_238 = arith.constant 416 : index
      %parallel_loop3A_239 = tpu.vector_load %arg5[%parallel_loop3A_237, %parallel_loop3A_238] {strides = array<i32>} : memref<64x512xi32, #tpu.memory_space<vmem>>, vector<1x16xi32>,
      %parallel_loop3A_240 = vector.shape_cast %parallel_loop3A_239 : vector<1x16xi32> to vector<16xi32>
      %parallel_loop3A_241 = arith.index_cast %parallel_loop3A_78 : i32 to index
      %parallel_loop3A_242 = arith.constant 432 : index
      %parallel_loop3A_243 = tpu.vector_load %arg5[%parallel_loop3A_241, %parallel_loop3A_242] {strides = array<i32>} : memref<64x512xi32, #tpu.memory_space<vmem>>, vector<1x16xi32>,
      %parallel_loop3A_244 = vector.shape_cast %parallel_loop3A_243 : vector<1x16xi32> to vector<16xi32>
      %parallel_loop3A_245 = arith.shli %broadcast_in_dim3A_8, %parallel_loop3A_240 : vector<16xi32>
      %parallel_loop3A_246 = arith.ori %parallel_loop3A_234, %parallel_loop3A_245 : vector<16xi32>
      %parallel_loop3A_247 = arith.shli %broadcast_in_dim3A_8, %parallel_loop3A_244 : vector<16xi32>
      %parallel_loop3A_248 = arith.ori %parallel_loop3A_236, %parallel_loop3A_247 : vector<16xi32>
      %parallel_loop3A_249 = arith.index_cast %parallel_loop3A_78 : i32 to index
      %parallel_loop3A_250 = arith.constant 448 : index
      %parallel_loop3A_251 = tpu.vector_load %arg5[%parallel_loop3A_249, %parallel_loop3A_250] {strides = array<i32>} : memref<64x512xi32, #tpu.memory_space<vmem>>, vector<1x16xi32>,
      %parallel_loop3A_252 = vector.shape_cast %parallel_loop3A_251 : vector<1x16xi32> to vector<16xi32>
      %parallel_loop3A_253 = arith.index_cast %parallel_loop3A_78 : i32 to index
      %parallel_loop3A_254 = arith.constant 464 : index
      %parallel_loop3A_255 = tpu.vector_load %arg5[%parallel_loop3A_253, %parallel_loop3A_254] {strides = array<i32>} : memref<64x512xi32, #tpu.memory_space<vmem>>, vector<1x16xi32>,
      %parallel_loop3A_256 = vector.shape_cast %parallel_loop3A_255 : vector<1x16xi32> to vector<16xi32>
      %parallel_loop3A_257 = arith.shli %broadcast_in_dim3A_8, %parallel_loop3A_252 : vector<16xi32>
      %parallel_loop3A_258 = arith.ori %parallel_loop3A_246, %parallel_loop3A_257 : vector<16xi32>
      %parallel_loop3A_259 = arith.shli %broadcast_in_dim3A_8, %parallel_loop3A_256 : vector<16xi32>
      %parallel_loop3A_260 = arith.ori %parallel_loop3A_248, %parallel_loop3A_259 : vector<16xi32>
      %parallel_loop3A_261 = arith.index_cast %parallel_loop3A_78 : i32 to index
      %parallel_loop3A_262 = arith.constant 480 : index
      %parallel_loop3A_263 = tpu.vector_load %arg5[%parallel_loop3A_261, %parallel_loop3A_262] {strides = array<i32>} : memref<64x512xi32, #tpu.memory_space<vmem>>, vector<1x16xi32>,
      %parallel_loop3A_264 = vector.shape_cast %parallel_loop3A_263 : vector<1x16xi32> to vector<16xi32>
      %parallel_loop3A_265 = arith.index_cast %parallel_loop3A_78 : i32 to index
      %parallel_loop3A_266 = arith.constant 496 : index
      %parallel_loop3A_267 = tpu.vector_load %arg5[%parallel_loop3A_265, %parallel_loop3A_266] {strides = array<i32>} : memref<64x512xi32, #tpu.memory_space<vmem>>, vector<1x16xi32>,
      %parallel_loop3A_268 = vector.shape_cast %parallel_loop3A_267 : vector<1x16xi32> to vector<16xi32>
      %parallel_loop3A_269 = arith.shli %broadcast_in_dim3A_8, %parallel_loop3A_264 : vector<16xi32>
      %parallel_loop3A_270 = arith.ori %parallel_loop3A_258, %parallel_loop3A_269 : vector<16xi32>
      %parallel_loop3A_271 = arith.shli %broadcast_in_dim3A_8, %parallel_loop3A_268 : vector<16xi32>
      %parallel_loop3A_272 = arith.ori %parallel_loop3A_260, %parallel_loop3A_271 : vector<16xi32>
      scf.yield %parallel_loop3A_270, %parallel_loop3A_272 : vector<16xi32>, vector<16xi32>
    } {sc.loop_unroll_factor = 2 : i64, sc.parallel_access}
    %add3A_47 = arith.constant 192 : i32
    %add3A_48 = arith.addi %mul3A_0, %add3A_47 : i32
    %dma_start3A_49 = arith.constant 0 : i32
    %dma_start3A_50 = tpu.memref_slice %arg2[%arg1, %add3A_48, %dma_start3A_49] : memref<16x512x512xi32, #tpu.memory_space<hbm>> -> memref<1x64x512xi32, #tpu.memory_space<hbm>>
    %dma_start3A_51 = tpu.memref_squeeze %dma_start3A_50 : memref<1x64x512xi32, #tpu.memory_space<hbm>> -> memref<64x512xi32, #tpu.memory_space<hbm>>
    %dma_start3A_52 = arith.constant 0 : i32
    %dma_start3A_53 = tpu.memref_slice %arg2[%arg1, %add3A_48, %dma_start3A_52] : memref<16x512x512xi32, #tpu.memory_space<hbm>> -> memref<1x64x512xi32, #tpu.memory_space<hbm>>
    %dma_start3A_54 = tpu.memref_squeeze %dma_start3A_53 : memref<1x64x512xi32, #tpu.memory_space<hbm>> -> memref<64x512xi32, #tpu.memory_space<hbm>>
    tpu.enqueue_dma source(%dma_start3A_54 : memref<64x512xi32, #tpu.memory_space<hbm>>) target(%arg5 : memref<64x512xi32, #tpu.memory_space<vmem>>) target_semaphore(%arg8 : memref<!tpu.dma_semaphore, #tpu.memory_space<semaphore_mem>>)
    %dma_wait3A_55 = arith.constant 0 : i32
    %dma_wait3A_56 = tpu.memref_slice %arg2[%arg1, %add3A_30, %dma_wait3A_55] : memref<16x512x512xi32, #tpu.memory_space<hbm>> -> memref<1x64x512xi32, #tpu.memory_space<hbm>>
    %dma_wait3A_57 = tpu.memref_squeeze %dma_wait3A_56 : memref<1x64x512xi32, #tpu.memory_space<hbm>> -> memref<64x512xi32, #tpu.memory_space<hbm>>
    %dma_wait3A_58 = arith.constant 0 : i32
    %dma_wait3A_59 = tpu.memref_slice %arg2[%arg1, %add3A_30, %dma_wait3A_58] : memref<16x512x512xi32, #tpu.memory_space<hbm>> -> memref<1x64x512xi32, #tpu.memory_space<hbm>>
    %dma_wait3A_60 = tpu.memref_squeeze %dma_wait3A_59 : memref<1x64x512xi32, #tpu.memory_space<hbm>> -> memref<64x512xi32, #tpu.memory_space<hbm>>
    tpu.wait_dma2 semaphore(%arg7 : memref<!tpu.dma_semaphore, #tpu.memory_space<semaphore_mem>>) src(%dma_wait3A_60 : memref<64x512xi32, #tpu.memory_space<hbm>>) dst(%arg4 : memref<64x512xi32, #tpu.memory_space<vmem>>)
    %parallel_loop3A_61 = arith.constant 0 : i32
    %parallel_loop3A_62 = arith.constant 64 : i32
    %parallel_loop3A_63 = arith.constant 1 : i32
    %parallel_loop3A_64:2 = scf.for %parallel_loop3A_78 = %parallel_loop3A_61 to %parallel_loop3A_62 step %parallel_loop3A_63 iter_args(%parallel_loop3A_79 = %parallel_loop3A_46#0, %parallel_loop3A_80 = %parallel_loop3A_46#1) -> (vector<16xi32>, vector<16xi32>)  : i32 {
      %parallel_loop3A_81 = arith.index_cast %parallel_loop3A_78 : i32 to index
      %parallel_loop3A_82 = arith.constant 0 : index
      %parallel_loop3A_83 = tpu.vector_load %arg4[%parallel_loop3A_81, %parallel_loop3A_82] {strides = array<i32>} : memref<64x512xi32, #tpu.memory_space<vmem>>, vector<1x16xi32>,
      %parallel_loop3A_84 = vector.shape_cast %parallel_loop3A_83 : vector<1x16xi32> to vector<16xi32>
      %parallel_loop3A_85 = arith.index_cast %parallel_loop3A_78 : i32 to index
      %parallel_loop3A_86 = arith.constant 16 : index
      %parallel_loop3A_87 = tpu.vector_load %arg4[%parallel_loop3A_85, %parallel_loop3A_86] {strides = array<i32>} : memref<64x512xi32, #tpu.memory_space<vmem>>, vector<1x16xi32>,
      %parallel_loop3A_88 = vector.shape_cast %parallel_loop3A_87 : vector<1x16xi32> to vector<16xi32>
      %parallel_loop3A_89 = arith.shli %broadcast_in_dim3A_8, %parallel_loop3A_84 : vector<16xi32>
      %parallel_loop3A_90 = arith.ori %parallel_loop3A_79, %parallel_loop3A_89 : vector<16xi32>
      %parallel_loop3A_91 = arith.shli %broadcast_in_dim3A_8, %parallel_loop3A_88 : vector<16xi32>
      %parallel_loop3A_92 = arith.ori %parallel_loop3A_80, %parallel_loop3A_91 : vector<16xi32>
      %parallel_loop3A_93 = arith.index_cast %parallel_loop3A_78 : i32 to index
      %parallel_loop3A_94 = arith.constant 32 : index
      %parallel_loop3A_95 = tpu.vector_load %arg4[%parallel_loop3A_93, %parallel_loop3A_94] {strides = array<i32>} : memref<64x512xi32, #tpu.memory_space<vmem>>, vector<1x16xi32>,
      %parallel_loop3A_96 = vector.shape_cast %parallel_loop3A_95 : vector<1x16xi32> to vector<16xi32>
      %parallel_loop3A_97 = arith.index_cast %parallel_loop3A_78 : i32 to index
      %parallel_loop3A_98 = arith.constant 48 : index
      %parallel_loop3A_99 = tpu.vector_load %arg4[%parallel_loop3A_97, %parallel_loop3A_98] {strides = array<i32>} : memref<64x512xi32, #tpu.memory_space<vmem>>, vector<1x16xi32>,
      %parallel_loop3A_100 = vector.shape_cast %parallel_loop3A_99 : vector<1x16xi32> to vector<16xi32>
      %parallel_loop3A_101 = arith.shli %broadcast_in_dim3A_8, %parallel_loop3A_96 : vector<16xi32>
      %parallel_loop3A_102 = arith.ori %parallel_loop3A_90, %parallel_loop3A_101 : vector<16xi32>
      %parallel_loop3A_103 = arith.shli %broadcast_in_dim3A_8, %parallel_loop3A_100 : vector<16xi32>
      %parallel_loop3A_104 = arith.ori %parallel_loop3A_92, %parallel_loop3A_103 : vector<16xi32>
      %parallel_loop3A_105 = arith.index_cast %parallel_loop3A_78 : i32 to index
      %parallel_loop3A_106 = arith.constant 64 : index
      %parallel_loop3A_107 = tpu.vector_load %arg4[%parallel_loop3A_105, %parallel_loop3A_106] {strides = array<i32>} : memref<64x512xi32, #tpu.memory_space<vmem>>, vector<1x16xi32>,
      %parallel_loop3A_108 = vector.shape_cast %parallel_loop3A_107 : vector<1x16xi32> to vector<16xi32>
      %parallel_loop3A_109 = arith.index_cast %parallel_loop3A_78 : i32 to index
      %parallel_loop3A_110 = arith.constant 80 : index
      %parallel_loop3A_111 = tpu.vector_load %arg4[%parallel_loop3A_109, %parallel_loop3A_110] {strides = array<i32>} : memref<64x512xi32, #tpu.memory_space<vmem>>, vector<1x16xi32>,
      %parallel_loop3A_112 = vector.shape_cast %parallel_loop3A_111 : vector<1x16xi32> to vector<16xi32>
      %parallel_loop3A_113 = arith.shli %broadcast_in_dim3A_8, %parallel_loop3A_108 : vector<16xi32>
      %parallel_loop3A_114 = arith.ori %parallel_loop3A_102, %parallel_loop3A_113 : vector<16xi32>
      %parallel_loop3A_115 = arith.shli %broadcast_in_dim3A_8, %parallel_loop3A_112 : vector<16xi32>
      %parallel_loop3A_116 = arith.ori %parallel_loop3A_104, %parallel_loop3A_115 : vector<16xi32>
      %parallel_loop3A_117 = arith.index_cast %parallel_loop3A_78 : i32 to index
      %parallel_loop3A_118 = arith.constant 96 : index
      %parallel_loop3A_119 = tpu.vector_load %arg4[%parallel_loop3A_117, %parallel_loop3A_118] {strides = array<i32>} : memref<64x512xi32, #tpu.memory_space<vmem>>, vector<1x16xi32>,
      %parallel_loop3A_120 = vector.shape_cast %parallel_loop3A_119 : vector<1x16xi32> to vector<16xi32>
      %parallel_loop3A_121 = arith.index_cast %parallel_loop3A_78 : i32 to index
      %parallel_loop3A_122 = arith.constant 112 : index
      %parallel_loop3A_123 = tpu.vector_load %arg4[%parallel_loop3A_121, %parallel_loop3A_122] {strides = array<i32>} : memref<64x512xi32, #tpu.memory_space<vmem>>, vector<1x16xi32>,
      %parallel_loop3A_124 = vector.shape_cast %parallel_loop3A_123 : vector<1x16xi32> to vector<16xi32>
      %parallel_loop3A_125 = arith.shli %broadcast_in_dim3A_8, %parallel_loop3A_120 : vector<16xi32>
      %parallel_loop3A_126 = arith.ori %parallel_loop3A_114, %parallel_loop3A_125 : vector<16xi32>
      %parallel_loop3A_127 = arith.shli %broadcast_in_dim3A_8, %parallel_loop3A_124 : vector<16xi32>
      %parallel_loop3A_128 = arith.ori %parallel_loop3A_116, %parallel_loop3A_127 : vector<16xi32>
      %parallel_loop3A_129 = arith.index_cast %parallel_loop3A_78 : i32 to index
      %parallel_loop3A_130 = arith.constant 128 : index
      %parallel_loop3A_131 = tpu.vector_load %arg4[%parallel_loop3A_129, %parallel_loop3A_130] {strides = array<i32>} : memref<64x512xi32, #tpu.memory_space<vmem>>, vector<1x16xi32>,
      %parallel_loop3A_132 = vector.shape_cast %parallel_loop3A_131 : vector<1x16xi32> to vector<16xi32>
      %parallel_loop3A_133 = arith.index_cast %parallel_loop3A_78 : i32 to index
      %parallel_loop3A_134 = arith.constant 144 : index
      %parallel_loop3A_135 = tpu.vector_load %arg4[%parallel_loop3A_133, %parallel_loop3A_134] {strides = array<i32>} : memref<64x512xi32, #tpu.memory_space<vmem>>, vector<1x16xi32>,
      %parallel_loop3A_136 = vector.shape_cast %parallel_loop3A_135 : vector<1x16xi32> to vector<16xi32>
      %parallel_loop3A_137 = arith.shli %broadcast_in_dim3A_8, %parallel_loop3A_132 : vector<16xi32>
      %parallel_loop3A_138 = arith.ori %parallel_loop3A_126, %parallel_loop3A_137 : vector<16xi32>
      %parallel_loop3A_139 = arith.shli %broadcast_in_dim3A_8, %parallel_loop3A_136 : vector<16xi32>
      %parallel_loop3A_140 = arith.ori %parallel_loop3A_128, %parallel_loop3A_139 : vector<16xi32>
      %parallel_loop3A_141 = arith.index_cast %parallel_loop3A_78 : i32 to index
      %parallel_loop3A_142 = arith.constant 160 : index
      %parallel_loop3A_143 = tpu.vector_load %arg4[%parallel_loop3A_141, %parallel_loop3A_142] {strides = array<i32>} : memref<64x512xi32, #tpu.memory_space<vmem>>, vector<1x16xi32>,
      %parallel_loop3A_144 = vector.shape_cast %parallel_loop3A_143 : vector<1x16xi32> to vector<16xi32>
      %parallel_loop3A_145 = arith.index_cast %parallel_loop3A_78 : i32 to index
      %parallel_loop3A_146 = arith.constant 176 : index
      %parallel_loop3A_147 = tpu.vector_load %arg4[%parallel_loop3A_145, %parallel_loop3A_146] {strides = array<i32>} : memref<64x512xi32, #tpu.memory_space<vmem>>, vector<1x16xi32>,
      %parallel_loop3A_148 = vector.shape_cast %parallel_loop3A_147 : vector<1x16xi32> to vector<16xi32>
      %parallel_loop3A_149 = arith.shli %broadcast_in_dim3A_8, %parallel_loop3A_144 : vector<16xi32>
      %parallel_loop3A_150 = arith.ori %parallel_loop3A_138, %parallel_loop3A_149 : vector<16xi32>
      %parallel_loop3A_151 = arith.shli %broadcast_in_dim3A_8, %parallel_loop3A_148 : vector<16xi32>
      %parallel_loop3A_152 = arith.ori %parallel_loop3A_140, %parallel_loop3A_151 : vector<16xi32>
      %parallel_loop3A_153 = arith.index_cast %parallel_loop3A_78 : i32 to index
      %parallel_loop3A_154 = arith.constant 192 : index
      %parallel_loop3A_155 = tpu.vector_load %arg4[%parallel_loop3A_153, %parallel_loop3A_154] {strides = array<i32>} : memref<64x512xi32, #tpu.memory_space<vmem>>, vector<1x16xi32>,
      %parallel_loop3A_156 = vector.shape_cast %parallel_loop3A_155 : vector<1x16xi32> to vector<16xi32>
      %parallel_loop3A_157 = arith.index_cast %parallel_loop3A_78 : i32 to index
      %parallel_loop3A_158 = arith.constant 208 : index
      %parallel_loop3A_159 = tpu.vector_load %arg4[%parallel_loop3A_157, %parallel_loop3A_158] {strides = array<i32>} : memref<64x512xi32, #tpu.memory_space<vmem>>, vector<1x16xi32>,
      %parallel_loop3A_160 = vector.shape_cast %parallel_loop3A_159 : vector<1x16xi32> to vector<16xi32>
      %parallel_loop3A_161 = arith.shli %broadcast_in_dim3A_8, %parallel_loop3A_156 : vector<16xi32>
      %parallel_loop3A_162 = arith.ori %parallel_loop3A_150, %parallel_loop3A_161 : vector<16xi32>
      %parallel_loop3A_163 = arith.shli %broadcast_in_dim3A_8, %parallel_loop3A_160 : vector<16xi32>
      %parallel_loop3A_164 = arith.ori %parallel_loop3A_152, %parallel_loop3A_163 : vector<16xi32>
      %parallel_loop3A_165 = arith.index_cast %parallel_loop3A_78 : i32 to index
      %parallel_loop3A_166 = arith.constant 224 : index
      %parallel_loop3A_167 = tpu.vector_load %arg4[%parallel_loop3A_165, %parallel_loop3A_166] {strides = array<i32>} : memref<64x512xi32, #tpu.memory_space<vmem>>, vector<1x16xi32>,
      %parallel_loop3A_168 = vector.shape_cast %parallel_loop3A_167 : vector<1x16xi32> to vector<16xi32>
      %parallel_loop3A_169 = arith.index_cast %parallel_loop3A_78 : i32 to index
      %parallel_loop3A_170 = arith.constant 240 : index
      %parallel_loop3A_171 = tpu.vector_load %arg4[%parallel_loop3A_169, %parallel_loop3A_170] {strides = array<i32>} : memref<64x512xi32, #tpu.memory_space<vmem>>, vector<1x16xi32>,
      %parallel_loop3A_172 = vector.shape_cast %parallel_loop3A_171 : vector<1x16xi32> to vector<16xi32>
      %parallel_loop3A_173 = arith.shli %broadcast_in_dim3A_8, %parallel_loop3A_168 : vector<16xi32>
      %parallel_loop3A_174 = arith.ori %parallel_loop3A_162, %parallel_loop3A_173 : vector<16xi32>
      %parallel_loop3A_175 = arith.shli %broadcast_in_dim3A_8, %parallel_loop3A_172 : vector<16xi32>
      %parallel_loop3A_176 = arith.ori %parallel_loop3A_164, %parallel_loop3A_175 : vector<16xi32>
      %parallel_loop3A_177 = arith.index_cast %parallel_loop3A_78 : i32 to index
      %parallel_loop3A_178 = arith.constant 256 : index
      %parallel_loop3A_179 = tpu.vector_load %arg4[%parallel_loop3A_177, %parallel_loop3A_178] {strides = array<i32>} : memref<64x512xi32, #tpu.memory_space<vmem>>, vector<1x16xi32>,
      %parallel_loop3A_180 = vector.shape_cast %parallel_loop3A_179 : vector<1x16xi32> to vector<16xi32>
      %parallel_loop3A_181 = arith.index_cast %parallel_loop3A_78 : i32 to index
      %parallel_loop3A_182 = arith.constant 272 : index
      %parallel_loop3A_183 = tpu.vector_load %arg4[%parallel_loop3A_181, %parallel_loop3A_182] {strides = array<i32>} : memref<64x512xi32, #tpu.memory_space<vmem>>, vector<1x16xi32>,
      %parallel_loop3A_184 = vector.shape_cast %parallel_loop3A_183 : vector<1x16xi32> to vector<16xi32>
      %parallel_loop3A_185 = arith.shli %broadcast_in_dim3A_8, %parallel_loop3A_180 : vector<16xi32>
      %parallel_loop3A_186 = arith.ori %parallel_loop3A_174, %parallel_loop3A_185 : vector<16xi32>
      %parallel_loop3A_187 = arith.shli %broadcast_in_dim3A_8, %parallel_loop3A_184 : vector<16xi32>
      %parallel_loop3A_188 = arith.ori %parallel_loop3A_176, %parallel_loop3A_187 : vector<16xi32>
      %parallel_loop3A_189 = arith.index_cast %parallel_loop3A_78 : i32 to index
      %parallel_loop3A_190 = arith.constant 288 : index
      %parallel_loop3A_191 = tpu.vector_load %arg4[%parallel_loop3A_189, %parallel_loop3A_190] {strides = array<i32>} : memref<64x512xi32, #tpu.memory_space<vmem>>, vector<1x16xi32>,
      %parallel_loop3A_192 = vector.shape_cast %parallel_loop3A_191 : vector<1x16xi32> to vector<16xi32>
      %parallel_loop3A_193 = arith.index_cast %parallel_loop3A_78 : i32 to index
      %parallel_loop3A_194 = arith.constant 304 : index
      %parallel_loop3A_195 = tpu.vector_load %arg4[%parallel_loop3A_193, %parallel_loop3A_194] {strides = array<i32>} : memref<64x512xi32, #tpu.memory_space<vmem>>, vector<1x16xi32>,
      %parallel_loop3A_196 = vector.shape_cast %parallel_loop3A_195 : vector<1x16xi32> to vector<16xi32>
      %parallel_loop3A_197 = arith.shli %broadcast_in_dim3A_8, %parallel_loop3A_192 : vector<16xi32>
      %parallel_loop3A_198 = arith.ori %parallel_loop3A_186, %parallel_loop3A_197 : vector<16xi32>
      %parallel_loop3A_199 = arith.shli %broadcast_in_dim3A_8, %parallel_loop3A_196 : vector<16xi32>
      %parallel_loop3A_200 = arith.ori %parallel_loop3A_188, %parallel_loop3A_199 : vector<16xi32>
      %parallel_loop3A_201 = arith.index_cast %parallel_loop3A_78 : i32 to index
      %parallel_loop3A_202 = arith.constant 320 : index
      %parallel_loop3A_203 = tpu.vector_load %arg4[%parallel_loop3A_201, %parallel_loop3A_202] {strides = array<i32>} : memref<64x512xi32, #tpu.memory_space<vmem>>, vector<1x16xi32>,
      %parallel_loop3A_204 = vector.shape_cast %parallel_loop3A_203 : vector<1x16xi32> to vector<16xi32>
      %parallel_loop3A_205 = arith.index_cast %parallel_loop3A_78 : i32 to index
      %parallel_loop3A_206 = arith.constant 336 : index
      %parallel_loop3A_207 = tpu.vector_load %arg4[%parallel_loop3A_205, %parallel_loop3A_206] {strides = array<i32>} : memref<64x512xi32, #tpu.memory_space<vmem>>, vector<1x16xi32>,
      %parallel_loop3A_208 = vector.shape_cast %parallel_loop3A_207 : vector<1x16xi32> to vector<16xi32>
      %parallel_loop3A_209 = arith.shli %broadcast_in_dim3A_8, %parallel_loop3A_204 : vector<16xi32>
      %parallel_loop3A_210 = arith.ori %parallel_loop3A_198, %parallel_loop3A_209 : vector<16xi32>
      %parallel_loop3A_211 = arith.shli %broadcast_in_dim3A_8, %parallel_loop3A_208 : vector<16xi32>
      %parallel_loop3A_212 = arith.ori %parallel_loop3A_200, %parallel_loop3A_211 : vector<16xi32>
      %parallel_loop3A_213 = arith.index_cast %parallel_loop3A_78 : i32 to index
      %parallel_loop3A_214 = arith.constant 352 : index
      %parallel_loop3A_215 = tpu.vector_load %arg4[%parallel_loop3A_213, %parallel_loop3A_214] {strides = array<i32>} : memref<64x512xi32, #tpu.memory_space<vmem>>, vector<1x16xi32>,
      %parallel_loop3A_216 = vector.shape_cast %parallel_loop3A_215 : vector<1x16xi32> to vector<16xi32>
      %parallel_loop3A_217 = arith.index_cast %parallel_loop3A_78 : i32 to index
      %parallel_loop3A_218 = arith.constant 368 : index
      %parallel_loop3A_219 = tpu.vector_load %arg4[%parallel_loop3A_217, %parallel_loop3A_218] {strides = array<i32>} : memref<64x512xi32, #tpu.memory_space<vmem>>, vector<1x16xi32>,
      %parallel_loop3A_220 = vector.shape_cast %parallel_loop3A_219 : vector<1x16xi32> to vector<16xi32>
      %parallel_loop3A_221 = arith.shli %broadcast_in_dim3A_8, %parallel_loop3A_216 : vector<16xi32>
      %parallel_loop3A_222 = arith.ori %parallel_loop3A_210, %parallel_loop3A_221 : vector<16xi32>
      %parallel_loop3A_223 = arith.shli %broadcast_in_dim3A_8, %parallel_loop3A_220 : vector<16xi32>
      %parallel_loop3A_224 = arith.ori %parallel_loop3A_212, %parallel_loop3A_223 : vector<16xi32>
      %parallel_loop3A_225 = arith.index_cast %parallel_loop3A_78 : i32 to index
      %parallel_loop3A_226 = arith.constant 384 : index
      %parallel_loop3A_227 = tpu.vector_load %arg4[%parallel_loop3A_225, %parallel_loop3A_226] {strides = array<i32>} : memref<64x512xi32, #tpu.memory_space<vmem>>, vector<1x16xi32>,
      %parallel_loop3A_228 = vector.shape_cast %parallel_loop3A_227 : vector<1x16xi32> to vector<16xi32>
      %parallel_loop3A_229 = arith.index_cast %parallel_loop3A_78 : i32 to index
      %parallel_loop3A_230 = arith.constant 400 : index
      %parallel_loop3A_231 = tpu.vector_load %arg4[%parallel_loop3A_229, %parallel_loop3A_230] {strides = array<i32>} : memref<64x512xi32, #tpu.memory_space<vmem>>, vector<1x16xi32>,
      %parallel_loop3A_232 = vector.shape_cast %parallel_loop3A_231 : vector<1x16xi32> to vector<16xi32>
      %parallel_loop3A_233 = arith.shli %broadcast_in_dim3A_8, %parallel_loop3A_228 : vector<16xi32>
      %parallel_loop3A_234 = arith.ori %parallel_loop3A_222, %parallel_loop3A_233 : vector<16xi32>
      %parallel_loop3A_235 = arith.shli %broadcast_in_dim3A_8, %parallel_loop3A_232 : vector<16xi32>
      %parallel_loop3A_236 = arith.ori %parallel_loop3A_224, %parallel_loop3A_235 : vector<16xi32>
      %parallel_loop3A_237 = arith.index_cast %parallel_loop3A_78 : i32 to index
      %parallel_loop3A_238 = arith.constant 416 : index
      %parallel_loop3A_239 = tpu.vector_load %arg4[%parallel_loop3A_237, %parallel_loop3A_238] {strides = array<i32>} : memref<64x512xi32, #tpu.memory_space<vmem>>, vector<1x16xi32>,
      %parallel_loop3A_240 = vector.shape_cast %parallel_loop3A_239 : vector<1x16xi32> to vector<16xi32>
      %parallel_loop3A_241 = arith.index_cast %parallel_loop3A_78 : i32 to index
      %parallel_loop3A_242 = arith.constant 432 : index
      %parallel_loop3A_243 = tpu.vector_load %arg4[%parallel_loop3A_241, %parallel_loop3A_242] {strides = array<i32>} : memref<64x512xi32, #tpu.memory_space<vmem>>, vector<1x16xi32>,
      %parallel_loop3A_244 = vector.shape_cast %parallel_loop3A_243 : vector<1x16xi32> to vector<16xi32>
      %parallel_loop3A_245 = arith.shli %broadcast_in_dim3A_8, %parallel_loop3A_240 : vector<16xi32>
      %parallel_loop3A_246 = arith.ori %parallel_loop3A_234, %parallel_loop3A_245 : vector<16xi32>
      %parallel_loop3A_247 = arith.shli %broadcast_in_dim3A_8, %parallel_loop3A_244 : vector<16xi32>
      %parallel_loop3A_248 = arith.ori %parallel_loop3A_236, %parallel_loop3A_247 : vector<16xi32>
      %parallel_loop3A_249 = arith.index_cast %parallel_loop3A_78 : i32 to index
      %parallel_loop3A_250 = arith.constant 448 : index
      %parallel_loop3A_251 = tpu.vector_load %arg4[%parallel_loop3A_249, %parallel_loop3A_250] {strides = array<i32>} : memref<64x512xi32, #tpu.memory_space<vmem>>, vector<1x16xi32>,
      %parallel_loop3A_252 = vector.shape_cast %parallel_loop3A_251 : vector<1x16xi32> to vector<16xi32>
      %parallel_loop3A_253 = arith.index_cast %parallel_loop3A_78 : i32 to index
      %parallel_loop3A_254 = arith.constant 464 : index
      %parallel_loop3A_255 = tpu.vector_load %arg4[%parallel_loop3A_253, %parallel_loop3A_254] {strides = array<i32>} : memref<64x512xi32, #tpu.memory_space<vmem>>, vector<1x16xi32>,
      %parallel_loop3A_256 = vector.shape_cast %parallel_loop3A_255 : vector<1x16xi32> to vector<16xi32>
      %parallel_loop3A_257 = arith.shli %broadcast_in_dim3A_8, %parallel_loop3A_252 : vector<16xi32>
      %parallel_loop3A_258 = arith.ori %parallel_loop3A_246, %parallel_loop3A_257 : vector<16xi32>
      %parallel_loop3A_259 = arith.shli %broadcast_in_dim3A_8, %parallel_loop3A_256 : vector<16xi32>
      %parallel_loop3A_260 = arith.ori %parallel_loop3A_248, %parallel_loop3A_259 : vector<16xi32>
      %parallel_loop3A_261 = arith.index_cast %parallel_loop3A_78 : i32 to index
      %parallel_loop3A_262 = arith.constant 480 : index
      %parallel_loop3A_263 = tpu.vector_load %arg4[%parallel_loop3A_261, %parallel_loop3A_262] {strides = array<i32>} : memref<64x512xi32, #tpu.memory_space<vmem>>, vector<1x16xi32>,
      %parallel_loop3A_264 = vector.shape_cast %parallel_loop3A_263 : vector<1x16xi32> to vector<16xi32>
      %parallel_loop3A_265 = arith.index_cast %parallel_loop3A_78 : i32 to index
      %parallel_loop3A_266 = arith.constant 496 : index
      %parallel_loop3A_267 = tpu.vector_load %arg4[%parallel_loop3A_265, %parallel_loop3A_266] {strides = array<i32>} : memref<64x512xi32, #tpu.memory_space<vmem>>, vector<1x16xi32>,
      %parallel_loop3A_268 = vector.shape_cast %parallel_loop3A_267 : vector<1x16xi32> to vector<16xi32>
      %parallel_loop3A_269 = arith.shli %broadcast_in_dim3A_8, %parallel_loop3A_264 : vector<16xi32>
      %parallel_loop3A_270 = arith.ori %parallel_loop3A_258, %parallel_loop3A_269 : vector<16xi32>
      %parallel_loop3A_271 = arith.shli %broadcast_in_dim3A_8, %parallel_loop3A_268 : vector<16xi32>
      %parallel_loop3A_272 = arith.ori %parallel_loop3A_260, %parallel_loop3A_271 : vector<16xi32>
      scf.yield %parallel_loop3A_270, %parallel_loop3A_272 : vector<16xi32>, vector<16xi32>
    } {sc.loop_unroll_factor = 2 : i64, sc.parallel_access}
    %dma_wait3A_65 = arith.constant 0 : i32
    %dma_wait3A_66 = tpu.memref_slice %arg2[%arg1, %add3A_48, %dma_wait3A_65] : memref<16x512x512xi32, #tpu.memory_space<hbm>> -> memref<1x64x512xi32, #tpu.memory_space<hbm>>
    %dma_wait3A_67 = tpu.memref_squeeze %dma_wait3A_66 : memref<1x64x512xi32, #tpu.memory_space<hbm>> -> memref<64x512xi32, #tpu.memory_space<hbm>>
    %dma_wait3A_68 = arith.constant 0 : i32
    %dma_wait3A_69 = tpu.memref_slice %arg2[%arg1, %add3A_48, %dma_wait3A_68] : memref<16x512x512xi32, #tpu.memory_space<hbm>> -> memref<1x64x512xi32, #tpu.memory_space<hbm>>
    %dma_wait3A_70 = tpu.memref_squeeze %dma_wait3A_69 : memref<1x64x512xi32, #tpu.memory_space<hbm>> -> memref<64x512xi32, #tpu.memory_space<hbm>>
    tpu.wait_dma2 semaphore(%arg8 : memref<!tpu.dma_semaphore, #tpu.memory_space<semaphore_mem>>) src(%dma_wait3A_70 : memref<64x512xi32, #tpu.memory_space<hbm>>) dst(%arg5 : memref<64x512xi32, #tpu.memory_space<vmem>>)
    %parallel_loop3A_71 = arith.constant 0 : i32
    %parallel_loop3A_72 = arith.constant 64 : i32
    %parallel_loop3A_73 = arith.constant 1 : i32
    %parallel_loop3A_74:2 = scf.for %parallel_loop3A_78 = %parallel_loop3A_71 to %parallel_loop3A_72 step %parallel_loop3A_73 iter_args(%parallel_loop3A_79 = %parallel_loop3A_64#0, %parallel_loop3A_80 = %parallel_loop3A_64#1) -> (vector<16xi32>, vector<16xi32>)  : i32 {
      %parallel_loop3A_81 = arith.index_cast %parallel_loop3A_78 : i32 to index
      %parallel_loop3A_82 = arith.constant 0 : index
      %parallel_loop3A_83 = tpu.vector_load %arg5[%parallel_loop3A_81, %parallel_loop3A_82] {strides = array<i32>} : memref<64x512xi32, #tpu.memory_space<vmem>>, vector<1x16xi32>,
      %parallel_loop3A_84 = vector.shape_cast %parallel_loop3A_83 : vector<1x16xi32> to vector<16xi32>
      %parallel_loop3A_85 = arith.index_cast %parallel_loop3A_78 : i32 to index
      %parallel_loop3A_86 = arith.constant 16 : index
      %parallel_loop3A_87 = tpu.vector_load %arg5[%parallel_loop3A_85, %parallel_loop3A_86] {strides = array<i32>} : memref<64x512xi32, #tpu.memory_space<vmem>>, vector<1x16xi32>,
      %parallel_loop3A_88 = vector.shape_cast %parallel_loop3A_87 : vector<1x16xi32> to vector<16xi32>
      %parallel_loop3A_89 = arith.shli %broadcast_in_dim3A_8, %parallel_loop3A_84 : vector<16xi32>
      %parallel_loop3A_90 = arith.ori %parallel_loop3A_79, %parallel_loop3A_89 : vector<16xi32>
      %parallel_loop3A_91 = arith.shli %broadcast_in_dim3A_8, %parallel_loop3A_88 : vector<16xi32>
      %parallel_loop3A_92 = arith.ori %parallel_loop3A_80, %parallel_loop3A_91 : vector<16xi32>
      %parallel_loop3A_93 = arith.index_cast %parallel_loop3A_78 : i32 to index
      %parallel_loop3A_94 = arith.constant 32 : index
      %parallel_loop3A_95 = tpu.vector_load %arg5[%parallel_loop3A_93, %parallel_loop3A_94] {strides = array<i32>} : memref<64x512xi32, #tpu.memory_space<vmem>>, vector<1x16xi32>,
      %parallel_loop3A_96 = vector.shape_cast %parallel_loop3A_95 : vector<1x16xi32> to vector<16xi32>
      %parallel_loop3A_97 = arith.index_cast %parallel_loop3A_78 : i32 to index
      %parallel_loop3A_98 = arith.constant 48 : index
      %parallel_loop3A_99 = tpu.vector_load %arg5[%parallel_loop3A_97, %parallel_loop3A_98] {strides = array<i32>} : memref<64x512xi32, #tpu.memory_space<vmem>>, vector<1x16xi32>,
      %parallel_loop3A_100 = vector.shape_cast %parallel_loop3A_99 : vector<1x16xi32> to vector<16xi32>
      %parallel_loop3A_101 = arith.shli %broadcast_in_dim3A_8, %parallel_loop3A_96 : vector<16xi32>
      %parallel_loop3A_102 = arith.ori %parallel_loop3A_90, %parallel_loop3A_101 : vector<16xi32>
      %parallel_loop3A_103 = arith.shli %broadcast_in_dim3A_8, %parallel_loop3A_100 : vector<16xi32>
      %parallel_loop3A_104 = arith.ori %parallel_loop3A_92, %parallel_loop3A_103 : vector<16xi32>
      %parallel_loop3A_105 = arith.index_cast %parallel_loop3A_78 : i32 to index
      %parallel_loop3A_106 = arith.constant 64 : index
      %parallel_loop3A_107 = tpu.vector_load %arg5[%parallel_loop3A_105, %parallel_loop3A_106] {strides = array<i32>} : memref<64x512xi32, #tpu.memory_space<vmem>>, vector<1x16xi32>,
      %parallel_loop3A_108 = vector.shape_cast %parallel_loop3A_107 : vector<1x16xi32> to vector<16xi32>
      %parallel_loop3A_109 = arith.index_cast %parallel_loop3A_78 : i32 to index
      %parallel_loop3A_110 = arith.constant 80 : index
      %parallel_loop3A_111 = tpu.vector_load %arg5[%parallel_loop3A_109, %parallel_loop3A_110] {strides = array<i32>} : memref<64x512xi32, #tpu.memory_space<vmem>>, vector<1x16xi32>,
      %parallel_loop3A_112 = vector.shape_cast %parallel_loop3A_111 : vector<1x16xi32> to vector<16xi32>
      %parallel_loop3A_113 = arith.shli %broadcast_in_dim3A_8, %parallel_loop3A_108 : vector<16xi32>
      %parallel_loop3A_114 = arith.ori %parallel_loop3A_102, %parallel_loop3A_113 : vector<16xi32>
      %parallel_loop3A_115 = arith.shli %broadcast_in_dim3A_8, %parallel_loop3A_112 : vector<16xi32>
      %parallel_loop3A_116 = arith.ori %parallel_loop3A_104, %parallel_loop3A_115 : vector<16xi32>
      %parallel_loop3A_117 = arith.index_cast %parallel_loop3A_78 : i32 to index
      %parallel_loop3A_118 = arith.constant 96 : index
      %parallel_loop3A_119 = tpu.vector_load %arg5[%parallel_loop3A_117, %parallel_loop3A_118] {strides = array<i32>} : memref<64x512xi32, #tpu.memory_space<vmem>>, vector<1x16xi32>,
      %parallel_loop3A_120 = vector.shape_cast %parallel_loop3A_119 : vector<1x16xi32> to vector<16xi32>
      %parallel_loop3A_121 = arith.index_cast %parallel_loop3A_78 : i32 to index
      %parallel_loop3A_122 = arith.constant 112 : index
      %parallel_loop3A_123 = tpu.vector_load %arg5[%parallel_loop3A_121, %parallel_loop3A_122] {strides = array<i32>} : memref<64x512xi32, #tpu.memory_space<vmem>>, vector<1x16xi32>,
      %parallel_loop3A_124 = vector.shape_cast %parallel_loop3A_123 : vector<1x16xi32> to vector<16xi32>
      %parallel_loop3A_125 = arith.shli %broadcast_in_dim3A_8, %parallel_loop3A_120 : vector<16xi32>
      %parallel_loop3A_126 = arith.ori %parallel_loop3A_114, %parallel_loop3A_125 : vector<16xi32>
      %parallel_loop3A_127 = arith.shli %broadcast_in_dim3A_8, %parallel_loop3A_124 : vector<16xi32>
      %parallel_loop3A_128 = arith.ori %parallel_loop3A_116, %parallel_loop3A_127 : vector<16xi32>
      %parallel_loop3A_129 = arith.index_cast %parallel_loop3A_78 : i32 to index
      %parallel_loop3A_130 = arith.constant 128 : index
      %parallel_loop3A_131 = tpu.vector_load %arg5[%parallel_loop3A_129, %parallel_loop3A_130] {strides = array<i32>} : memref<64x512xi32, #tpu.memory_space<vmem>>, vector<1x16xi32>,
      %parallel_loop3A_132 = vector.shape_cast %parallel_loop3A_131 : vector<1x16xi32> to vector<16xi32>
      %parallel_loop3A_133 = arith.index_cast %parallel_loop3A_78 : i32 to index
      %parallel_loop3A_134 = arith.constant 144 : index
      %parallel_loop3A_135 = tpu.vector_load %arg5[%parallel_loop3A_133, %parallel_loop3A_134] {strides = array<i32>} : memref<64x512xi32, #tpu.memory_space<vmem>>, vector<1x16xi32>,
      %parallel_loop3A_136 = vector.shape_cast %parallel_loop3A_135 : vector<1x16xi32> to vector<16xi32>
      %parallel_loop3A_137 = arith.shli %broadcast_in_dim3A_8, %parallel_loop3A_132 : vector<16xi32>
      %parallel_loop3A_138 = arith.ori %parallel_loop3A_126, %parallel_loop3A_137 : vector<16xi32>
      %parallel_loop3A_139 = arith.shli %broadcast_in_dim3A_8, %parallel_loop3A_136 : vector<16xi32>
      %parallel_loop3A_140 = arith.ori %parallel_loop3A_128, %parallel_loop3A_139 : vector<16xi32>
      %parallel_loop3A_141 = arith.index_cast %parallel_loop3A_78 : i32 to index
      %parallel_loop3A_142 = arith.constant 160 : index
      %parallel_loop3A_143 = tpu.vector_load %arg5[%parallel_loop3A_141, %parallel_loop3A_142] {strides = array<i32>} : memref<64x512xi32, #tpu.memory_space<vmem>>, vector<1x16xi32>,
      %parallel_loop3A_144 = vector.shape_cast %parallel_loop3A_143 : vector<1x16xi32> to vector<16xi32>
      %parallel_loop3A_145 = arith.index_cast %parallel_loop3A_78 : i32 to index
      %parallel_loop3A_146 = arith.constant 176 : index
      %parallel_loop3A_147 = tpu.vector_load %arg5[%parallel_loop3A_145, %parallel_loop3A_146] {strides = array<i32>} : memref<64x512xi32, #tpu.memory_space<vmem>>, vector<1x16xi32>,
      %parallel_loop3A_148 = vector.shape_cast %parallel_loop3A_147 : vector<1x16xi32> to vector<16xi32>
      %parallel_loop3A_149 = arith.shli %broadcast_in_dim3A_8, %parallel_loop3A_144 : vector<16xi32>
      %parallel_loop3A_150 = arith.ori %parallel_loop3A_138, %parallel_loop3A_149 : vector<16xi32>
      %parallel_loop3A_151 = arith.shli %broadcast_in_dim3A_8, %parallel_loop3A_148 : vector<16xi32>
      %parallel_loop3A_152 = arith.ori %parallel_loop3A_140, %parallel_loop3A_151 : vector<16xi32>
      %parallel_loop3A_153 = arith.index_cast %parallel_loop3A_78 : i32 to index
      %parallel_loop3A_154 = arith.constant 192 : index
      %parallel_loop3A_155 = tpu.vector_load %arg5[%parallel_loop3A_153, %parallel_loop3A_154] {strides = array<i32>} : memref<64x512xi32, #tpu.memory_space<vmem>>, vector<1x16xi32>,
      %parallel_loop3A_156 = vector.shape_cast %parallel_loop3A_155 : vector<1x16xi32> to vector<16xi32>
      %parallel_loop3A_157 = arith.index_cast %parallel_loop3A_78 : i32 to index
      %parallel_loop3A_158 = arith.constant 208 : index
      %parallel_loop3A_159 = tpu.vector_load %arg5[%parallel_loop3A_157, %parallel_loop3A_158] {strides = array<i32>} : memref<64x512xi32, #tpu.memory_space<vmem>>, vector<1x16xi32>,
      %parallel_loop3A_160 = vector.shape_cast %parallel_loop3A_159 : vector<1x16xi32> to vector<16xi32>
      %parallel_loop3A_161 = arith.shli %broadcast_in_dim3A_8, %parallel_loop3A_156 : vector<16xi32>
      %parallel_loop3A_162 = arith.ori %parallel_loop3A_150, %parallel_loop3A_161 : vector<16xi32>
      %parallel_loop3A_163 = arith.shli %broadcast_in_dim3A_8, %parallel_loop3A_160 : vector<16xi32>
      %parallel_loop3A_164 = arith.ori %parallel_loop3A_152, %parallel_loop3A_163 : vector<16xi32>
      %parallel_loop3A_165 = arith.index_cast %parallel_loop3A_78 : i32 to index
      %parallel_loop3A_166 = arith.constant 224 : index
      %parallel_loop3A_167 = tpu.vector_load %arg5[%parallel_loop3A_165, %parallel_loop3A_166] {strides = array<i32>} : memref<64x512xi32, #tpu.memory_space<vmem>>, vector<1x16xi32>,
      %parallel_loop3A_168 = vector.shape_cast %parallel_loop3A_167 : vector<1x16xi32> to vector<16xi32>
      %parallel_loop3A_169 = arith.index_cast %parallel_loop3A_78 : i32 to index
      %parallel_loop3A_170 = arith.constant 240 : index
      %parallel_loop3A_171 = tpu.vector_load %arg5[%parallel_loop3A_169, %parallel_loop3A_170] {strides = array<i32>} : memref<64x512xi32, #tpu.memory_space<vmem>>, vector<1x16xi32>,
      %parallel_loop3A_172 = vector.shape_cast %parallel_loop3A_171 : vector<1x16xi32> to vector<16xi32>
      %parallel_loop3A_173 = arith.shli %broadcast_in_dim3A_8, %parallel_loop3A_168 : vector<16xi32>
      %parallel_loop3A_174 = arith.ori %parallel_loop3A_162, %parallel_loop3A_173 : vector<16xi32>
      %parallel_loop3A_175 = arith.shli %broadcast_in_dim3A_8, %parallel_loop3A_172 : vector<16xi32>
      %parallel_loop3A_176 = arith.ori %parallel_loop3A_164, %parallel_loop3A_175 : vector<16xi32>
      %parallel_loop3A_177 = arith.index_cast %parallel_loop3A_78 : i32 to index
      %parallel_loop3A_178 = arith.constant 256 : index
      %parallel_loop3A_179 = tpu.vector_load %arg5[%parallel_loop3A_177, %parallel_loop3A_178] {strides = array<i32>} : memref<64x512xi32, #tpu.memory_space<vmem>>, vector<1x16xi32>,
      %parallel_loop3A_180 = vector.shape_cast %parallel_loop3A_179 : vector<1x16xi32> to vector<16xi32>
      %parallel_loop3A_181 = arith.index_cast %parallel_loop3A_78 : i32 to index
      %parallel_loop3A_182 = arith.constant 272 : index
      %parallel_loop3A_183 = tpu.vector_load %arg5[%parallel_loop3A_181, %parallel_loop3A_182] {strides = array<i32>} : memref<64x512xi32, #tpu.memory_space<vmem>>, vector<1x16xi32>,
      %parallel_loop3A_184 = vector.shape_cast %parallel_loop3A_183 : vector<1x16xi32> to vector<16xi32>
      %parallel_loop3A_185 = arith.shli %broadcast_in_dim3A_8, %parallel_loop3A_180 : vector<16xi32>
      %parallel_loop3A_186 = arith.ori %parallel_loop3A_174, %parallel_loop3A_185 : vector<16xi32>
      %parallel_loop3A_187 = arith.shli %broadcast_in_dim3A_8, %parallel_loop3A_184 : vector<16xi32>
      %parallel_loop3A_188 = arith.ori %parallel_loop3A_176, %parallel_loop3A_187 : vector<16xi32>
      %parallel_loop3A_189 = arith.index_cast %parallel_loop3A_78 : i32 to index
      %parallel_loop3A_190 = arith.constant 288 : index
      %parallel_loop3A_191 = tpu.vector_load %arg5[%parallel_loop3A_189, %parallel_loop3A_190] {strides = array<i32>} : memref<64x512xi32, #tpu.memory_space<vmem>>, vector<1x16xi32>,
      %parallel_loop3A_192 = vector.shape_cast %parallel_loop3A_191 : vector<1x16xi32> to vector<16xi32>
      %parallel_loop3A_193 = arith.index_cast %parallel_loop3A_78 : i32 to index
      %parallel_loop3A_194 = arith.constant 304 : index
      %parallel_loop3A_195 = tpu.vector_load %arg5[%parallel_loop3A_193, %parallel_loop3A_194] {strides = array<i32>} : memref<64x512xi32, #tpu.memory_space<vmem>>, vector<1x16xi32>,
      %parallel_loop3A_196 = vector.shape_cast %parallel_loop3A_195 : vector<1x16xi32> to vector<16xi32>
      %parallel_loop3A_197 = arith.shli %broadcast_in_dim3A_8, %parallel_loop3A_192 : vector<16xi32>
      %parallel_loop3A_198 = arith.ori %parallel_loop3A_186, %parallel_loop3A_197 : vector<16xi32>
      %parallel_loop3A_199 = arith.shli %broadcast_in_dim3A_8, %parallel_loop3A_196 : vector<16xi32>
      %parallel_loop3A_200 = arith.ori %parallel_loop3A_188, %parallel_loop3A_199 : vector<16xi32>
      %parallel_loop3A_201 = arith.index_cast %parallel_loop3A_78 : i32 to index
      %parallel_loop3A_202 = arith.constant 320 : index
      %parallel_loop3A_203 = tpu.vector_load %arg5[%parallel_loop3A_201, %parallel_loop3A_202] {strides = array<i32>} : memref<64x512xi32, #tpu.memory_space<vmem>>, vector<1x16xi32>,
      %parallel_loop3A_204 = vector.shape_cast %parallel_loop3A_203 : vector<1x16xi32> to vector<16xi32>
      %parallel_loop3A_205 = arith.index_cast %parallel_loop3A_78 : i32 to index
      %parallel_loop3A_206 = arith.constant 336 : index
      %parallel_loop3A_207 = tpu.vector_load %arg5[%parallel_loop3A_205, %parallel_loop3A_206] {strides = array<i32>} : memref<64x512xi32, #tpu.memory_space<vmem>>, vector<1x16xi32>,
      %parallel_loop3A_208 = vector.shape_cast %parallel_loop3A_207 : vector<1x16xi32> to vector<16xi32>
      %parallel_loop3A_209 = arith.shli %broadcast_in_dim3A_8, %parallel_loop3A_204 : vector<16xi32>
      %parallel_loop3A_210 = arith.ori %parallel_loop3A_198, %parallel_loop3A_209 : vector<16xi32>
      %parallel_loop3A_211 = arith.shli %broadcast_in_dim3A_8, %parallel_loop3A_208 : vector<16xi32>
      %parallel_loop3A_212 = arith.ori %parallel_loop3A_200, %parallel_loop3A_211 : vector<16xi32>
      %parallel_loop3A_213 = arith.index_cast %parallel_loop3A_78 : i32 to index
      %parallel_loop3A_214 = arith.constant 352 : index
      %parallel_loop3A_215 = tpu.vector_load %arg5[%parallel_loop3A_213, %parallel_loop3A_214] {strides = array<i32>} : memref<64x512xi32, #tpu.memory_space<vmem>>, vector<1x16xi32>,
      %parallel_loop3A_216 = vector.shape_cast %parallel_loop3A_215 : vector<1x16xi32> to vector<16xi32>
      %parallel_loop3A_217 = arith.index_cast %parallel_loop3A_78 : i32 to index
      %parallel_loop3A_218 = arith.constant 368 : index
      %parallel_loop3A_219 = tpu.vector_load %arg5[%parallel_loop3A_217, %parallel_loop3A_218] {strides = array<i32>} : memref<64x512xi32, #tpu.memory_space<vmem>>, vector<1x16xi32>,
      %parallel_loop3A_220 = vector.shape_cast %parallel_loop3A_219 : vector<1x16xi32> to vector<16xi32>
      %parallel_loop3A_221 = arith.shli %broadcast_in_dim3A_8, %parallel_loop3A_216 : vector<16xi32>
      %parallel_loop3A_222 = arith.ori %parallel_loop3A_210, %parallel_loop3A_221 : vector<16xi32>
      %parallel_loop3A_223 = arith.shli %broadcast_in_dim3A_8, %parallel_loop3A_220 : vector<16xi32>
      %parallel_loop3A_224 = arith.ori %parallel_loop3A_212, %parallel_loop3A_223 : vector<16xi32>
      %parallel_loop3A_225 = arith.index_cast %parallel_loop3A_78 : i32 to index
      %parallel_loop3A_226 = arith.constant 384 : index
      %parallel_loop3A_227 = tpu.vector_load %arg5[%parallel_loop3A_225, %parallel_loop3A_226] {strides = array<i32>} : memref<64x512xi32, #tpu.memory_space<vmem>>, vector<1x16xi32>,
      %parallel_loop3A_228 = vector.shape_cast %parallel_loop3A_227 : vector<1x16xi32> to vector<16xi32>
      %parallel_loop3A_229 = arith.index_cast %parallel_loop3A_78 : i32 to index
      %parallel_loop3A_230 = arith.constant 400 : index
      %parallel_loop3A_231 = tpu.vector_load %arg5[%parallel_loop3A_229, %parallel_loop3A_230] {strides = array<i32>} : memref<64x512xi32, #tpu.memory_space<vmem>>, vector<1x16xi32>,
      %parallel_loop3A_232 = vector.shape_cast %parallel_loop3A_231 : vector<1x16xi32> to vector<16xi32>
      %parallel_loop3A_233 = arith.shli %broadcast_in_dim3A_8, %parallel_loop3A_228 : vector<16xi32>
      %parallel_loop3A_234 = arith.ori %parallel_loop3A_222, %parallel_loop3A_233 : vector<16xi32>
      %parallel_loop3A_235 = arith.shli %broadcast_in_dim3A_8, %parallel_loop3A_232 : vector<16xi32>
      %parallel_loop3A_236 = arith.ori %parallel_loop3A_224, %parallel_loop3A_235 : vector<16xi32>
      %parallel_loop3A_237 = arith.index_cast %parallel_loop3A_78 : i32 to index
      %parallel_loop3A_238 = arith.constant 416 : index
      %parallel_loop3A_239 = tpu.vector_load %arg5[%parallel_loop3A_237, %parallel_loop3A_238] {strides = array<i32>} : memref<64x512xi32, #tpu.memory_space<vmem>>, vector<1x16xi32>,
      %parallel_loop3A_240 = vector.shape_cast %parallel_loop3A_239 : vector<1x16xi32> to vector<16xi32>
      %parallel_loop3A_241 = arith.index_cast %parallel_loop3A_78 : i32 to index
      %parallel_loop3A_242 = arith.constant 432 : index
      %parallel_loop3A_243 = tpu.vector_load %arg5[%parallel_loop3A_241, %parallel_loop3A_242] {strides = array<i32>} : memref<64x512xi32, #tpu.memory_space<vmem>>, vector<1x16xi32>,
      %parallel_loop3A_244 = vector.shape_cast %parallel_loop3A_243 : vector<1x16xi32> to vector<16xi32>
      %parallel_loop3A_245 = arith.shli %broadcast_in_dim3A_8, %parallel_loop3A_240 : vector<16xi32>
      %parallel_loop3A_246 = arith.ori %parallel_loop3A_234, %parallel_loop3A_245 : vector<16xi32>
      %parallel_loop3A_247 = arith.shli %broadcast_in_dim3A_8, %parallel_loop3A_244 : vector<16xi32>
      %parallel_loop3A_248 = arith.ori %parallel_loop3A_236, %parallel_loop3A_247 : vector<16xi32>
      %parallel_loop3A_249 = arith.index_cast %parallel_loop3A_78 : i32 to index
      %parallel_loop3A_250 = arith.constant 448 : index
      %parallel_loop3A_251 = tpu.vector_load %arg5[%parallel_loop3A_249, %parallel_loop3A_250] {strides = array<i32>} : memref<64x512xi32, #tpu.memory_space<vmem>>, vector<1x16xi32>,
      %parallel_loop3A_252 = vector.shape_cast %parallel_loop3A_251 : vector<1x16xi32> to vector<16xi32>
      %parallel_loop3A_253 = arith.index_cast %parallel_loop3A_78 : i32 to index
      %parallel_loop3A_254 = arith.constant 464 : index
      %parallel_loop3A_255 = tpu.vector_load %arg5[%parallel_loop3A_253, %parallel_loop3A_254] {strides = array<i32>} : memref<64x512xi32, #tpu.memory_space<vmem>>, vector<1x16xi32>,
      %parallel_loop3A_256 = vector.shape_cast %parallel_loop3A_255 : vector<1x16xi32> to vector<16xi32>
      %parallel_loop3A_257 = arith.shli %broadcast_in_dim3A_8, %parallel_loop3A_252 : vector<16xi32>
      %parallel_loop3A_258 = arith.ori %parallel_loop3A_246, %parallel_loop3A_257 : vector<16xi32>
      %parallel_loop3A_259 = arith.shli %broadcast_in_dim3A_8, %parallel_loop3A_256 : vector<16xi32>
      %parallel_loop3A_260 = arith.ori %parallel_loop3A_248, %parallel_loop3A_259 : vector<16xi32>
      %parallel_loop3A_261 = arith.index_cast %parallel_loop3A_78 : i32 to index
      %parallel_loop3A_262 = arith.constant 480 : index
      %parallel_loop3A_263 = tpu.vector_load %arg5[%parallel_loop3A_261, %parallel_loop3A_262] {strides = array<i32>} : memref<64x512xi32, #tpu.memory_space<vmem>>, vector<1x16xi32>,
      %parallel_loop3A_264 = vector.shape_cast %parallel_loop3A_263 : vector<1x16xi32> to vector<16xi32>
      %parallel_loop3A_265 = arith.index_cast %parallel_loop3A_78 : i32 to index
      %parallel_loop3A_266 = arith.constant 496 : index
      %parallel_loop3A_267 = tpu.vector_load %arg5[%parallel_loop3A_265, %parallel_loop3A_266] {strides = array<i32>} : memref<64x512xi32, #tpu.memory_space<vmem>>, vector<1x16xi32>,
      %parallel_loop3A_268 = vector.shape_cast %parallel_loop3A_267 : vector<1x16xi32> to vector<16xi32>
      %parallel_loop3A_269 = arith.shli %broadcast_in_dim3A_8, %parallel_loop3A_264 : vector<16xi32>
      %parallel_loop3A_270 = arith.ori %parallel_loop3A_258, %parallel_loop3A_269 : vector<16xi32>
      %parallel_loop3A_271 = arith.shli %broadcast_in_dim3A_8, %parallel_loop3A_268 : vector<16xi32>
      %parallel_loop3A_272 = arith.ori %parallel_loop3A_260, %parallel_loop3A_271 : vector<16xi32>
      scf.yield %parallel_loop3A_270, %parallel_loop3A_272 : vector<16xi32>, vector<16xi32>
    } {sc.loop_unroll_factor = 2 : i64, sc.parallel_access}
    %or3A = arith.ori %parallel_loop3A_74#0, %parallel_loop3A_74#1 : vector<16xi32>
    %swap3A = arith.constant 0 : index
    %swap3A_75 = tpu.vector_load %arg6[%swap3A] {strides = array<i32>} : memref<16xi32, #tpu.memory_space<vmem>>, vector<16xi32>,
    %swap3A_76 = vector.shape_cast %swap3A_75 : vector<16xi32> to vector<16xi32>
    %swap3A_77 = vector.shape_cast %or3A : vector<16xi32> to vector<16xi32>
    tpu.vector_store %arg6[%swap3A], %swap3A_77 {strides = array<i32>} : memref<16xi32, #tpu.memory_space<vmem>>, vector<16xi32>,
    "tpu.region"() ({
      %run_scoped3A = tpu.sem_alloc : memref<!tpu.dma_semaphore, #tpu.memory_space<semaphore_mem>>
      %dma_start3A_78 = arith.constant 0 : i32
      %dma_start3A_79 = tpu.memref_slice %arg3[%add3A, %dma_start3A_78] : memref<32x16xi32, #tpu.memory_space<hbm>> -> memref<1x16xi32, #tpu.memory_space<hbm>>
      %dma_start3A_80 = tpu.memref_squeeze %dma_start3A_79 : memref<1x16xi32, #tpu.memory_space<hbm>> -> memref<16xi32, #tpu.memory_space<hbm>>
      %dma_start3A_81 = arith.constant 0 : i32
      %dma_start3A_82 = tpu.memref_slice %arg3[%add3A, %dma_start3A_81] : memref<32x16xi32, #tpu.memory_space<hbm>> -> memref<1x16xi32, #tpu.memory_space<hbm>>
      %dma_start3A_83 = tpu.memref_squeeze %dma_start3A_82 : memref<1x16xi32, #tpu.memory_space<hbm>> -> memref<16xi32, #tpu.memory_space<hbm>>
      tpu.enqueue_dma source(%arg6 : memref<16xi32, #tpu.memory_space<vmem>>) target(%dma_start3A_83 : memref<16xi32, #tpu.memory_space<hbm>>) target_semaphore(%run_scoped3A : memref<!tpu.dma_semaphore, #tpu.memory_space<semaphore_mem>>)
      %dma_wait3A_84 = arith.constant 0 : i32
      %dma_wait3A_85 = tpu.memref_slice %arg3[%add3A, %dma_wait3A_84] : memref<32x16xi32, #tpu.memory_space<hbm>> -> memref<1x16xi32, #tpu.memory_space<hbm>>
      %dma_wait3A_86 = tpu.memref_squeeze %dma_wait3A_85 : memref<1x16xi32, #tpu.memory_space<hbm>> -> memref<16xi32, #tpu.memory_space<hbm>>
      %dma_wait3A_87 = arith.constant 0 : i32
      %dma_wait3A_88 = tpu.memref_slice %arg3[%add3A, %dma_wait3A_87] : memref<32x16xi32, #tpu.memory_space<hbm>> -> memref<1x16xi32, #tpu.memory_space<hbm>>
      %dma_wait3A_89 = tpu.memref_squeeze %dma_wait3A_88 : memref<1x16xi32, #tpu.memory_space<hbm>> -> memref<16xi32, #tpu.memory_space<hbm>>
      tpu.wait_dma2 semaphore(%run_scoped3A : memref<!tpu.dma_semaphore, #tpu.memory_space<semaphore_mem>>) src(%arg6 : memref<16xi32, #tpu.memory_space<vmem>>) dst(%dma_wait3A_89 : memref<16xi32, #tpu.memory_space<hbm>>)
      tpu.yield
    }) : () -> ()
    return
  }
}

module attributes {stable_mosaic.version = 14 : i64} {
  func.func @_bce_body(%arg0: memref<16x19xf32, #tpu.memory_space<vmem>>, %arg1: memref<32x16xi32, #tpu.memory_space<vmem>>, %arg2: memref<1x1xf32, #tpu.memory_space<vmem>>) attributes {dimension_semantics = [], scalar_prefetch = 0 : i64, scratch_operands = 0 : i64, tpu.core_type = #tpu.core_type<tc>} {
    %get3A = arith.constant 0 : index
    %get3A_0 = arith.constant 0 : index
    %get3A_1 = vector.load %arg1[%get3A, %get3A_0] : memref<32x16xi32, #tpu.memory_space<vmem>>, vector<32x16xi32>
    %slice3A = vector.extract_strided_slice %get3A_1 {offsets = [0, 0], sizes = [16, 16], strides = [1, 1]} : vector<32x16xi32> to vector<16x16xi32>
    %slice3A_2 = vector.extract_strided_slice %get3A_1 {offsets = [16, 0], sizes = [16, 16], strides = [1, 1]} : vector<32x16xi32> to vector<16x16xi32>
    %or3A = arith.ori %slice3A, %slice3A_2 : vector<16x16xi32>
    %slice3A_3 = vector.extract_strided_slice %or3A {offsets = [0, 0], sizes = [16, 8], strides = [1, 1]} : vector<16x16xi32> to vector<16x8xi32>
    %slice3A_4 = vector.extract_strided_slice %or3A {offsets = [0, 8], sizes = [16, 8], strides = [1, 1]} : vector<16x16xi32> to vector<16x8xi32>
    %or3A_5 = arith.ori %slice3A_3, %slice3A_4 : vector<16x8xi32>
    %slice3A_6 = vector.extract_strided_slice %or3A_5 {offsets = [0, 0], sizes = [16, 4], strides = [1, 1]} : vector<16x8xi32> to vector<16x4xi32>
    %slice3A_7 = vector.extract_strided_slice %or3A_5 {offsets = [0, 4], sizes = [16, 4], strides = [1, 1]} : vector<16x8xi32> to vector<16x4xi32>
    %or3A_8 = arith.ori %slice3A_6, %slice3A_7 : vector<16x4xi32>
    %slice3A_9 = vector.extract_strided_slice %or3A_8 {offsets = [0, 0], sizes = [16, 2], strides = [1, 1]} : vector<16x4xi32> to vector<16x2xi32>
    %slice3A_10 = vector.extract_strided_slice %or3A_8 {offsets = [0, 2], sizes = [16, 2], strides = [1, 1]} : vector<16x4xi32> to vector<16x2xi32>
    %or3A_11 = arith.ori %slice3A_9, %slice3A_10 : vector<16x2xi32>
    %slice3A_12 = vector.extract_strided_slice %or3A_11 {offsets = [0, 0], sizes = [16, 1], strides = [1, 1]} : vector<16x2xi32> to vector<16x1xi32>
    %slice3A_13 = vector.extract_strided_slice %or3A_11 {offsets = [0, 1], sizes = [16, 1], strides = [1, 1]} : vector<16x2xi32> to vector<16x1xi32>
    %or3A_14 = arith.ori %slice3A_12, %slice3A_13 : vector<16x1xi32>
    %iota3A = tpu.iota {dimensions = array<i32: 1>} : vector<16x19xi32>
    %shift_right_arithmetic3A = vector.broadcast %or3A_14 : vector<16x1xi32> to vector<16x19xi32>
    %shift_right_arithmetic3A_15 = arith.shrsi %shift_right_arithmetic3A, %iota3A : vector<16x19xi32>
    %and3A = arith.constant 1 : i32
    %and3A_16 = vector.broadcast %and3A : i32 to vector<16x19xi32>
    %and3A_17 = arith.andi %shift_right_arithmetic3A_15, %and3A_16 : vector<16x19xi32>
    %convert_element_type3A = arith.sitofp %and3A_17 : vector<16x19xi32> to vector<16x19xf32>
    %get3A_18 = arith.constant 0 : index
    %get3A_19 = arith.constant 0 : index
    %get3A_20 = vector.load %arg0[%get3A_18, %get3A_19] : memref<16x19xf32, #tpu.memory_space<vmem>>, vector<16x19xf32>
    %max3A = arith.constant 0.000000e+00 : f32
    %max3A_21 = vector.broadcast %max3A : f32 to vector<16x19xf32>
    %max3A_22 = arith.maximumf %get3A_20, %max3A_21 : vector<16x19xf32>
    %mul3A = arith.mulf %get3A_20, %convert_element_type3A : vector<16x19xf32>
    %sub3A = arith.subf %max3A_22, %mul3A : vector<16x19xf32>
    %abs3A = math.absf %get3A_20 : vector<16x19xf32>
    %neg3A = arith.constant 0.000000e+00 : f32
    %neg3A_23 = vector.broadcast %neg3A : f32 to vector<16x19xf32>
    %neg3A_24 = arith.subf %neg3A_23, %abs3A : vector<16x19xf32>
    %exp3A = math.exp %neg3A_24 : vector<16x19xf32>
    %log1p3A = math.log1p %exp3A : vector<16x19xf32>
    %add3A = arith.addf %sub3A, %log1p3A : vector<16x19xf32>
    %reduce_sum3A = vector.shape_cast %add3A : vector<16x19xf32> to vector<1x16x19xf32>
    %reduce_sum3A_25 = arith.constant dense<0.000000e+00> : vector<1xf32>
    %reduce_sum3A_26 = vector.multi_reduction <add>, %reduce_sum3A, %reduce_sum3A_25 [1, 2] : vector<1x16x19xf32> to vector<1xf32>
    %reduce_sum3A_27 = vector.shape_cast %reduce_sum3A_26 : vector<1xf32> to vector<1x1x1xf32>
    %reduce_sum3A_28 = vector.extract %reduce_sum3A_27[0, 0, 0] : f32 from vector<1x1x1xf32>
    %mul3A_29 = arith.constant 8.22368427E-4 : f32
    %mul3A_30 = arith.mulf %mul3A_29, %reduce_sum3A_28 : f32
    %reshape3A = vector.broadcast %mul3A_30 : f32 to vector<1x1xf32>
    %swap3A = arith.constant 0 : index
    %swap3A_31 = arith.constant 0 : index
    %swap3A_32 = vector.load %arg2[%swap3A, %swap3A_31] : memref<1x1xf32, #tpu.memory_space<vmem>>, vector<1x1xf32>
    tpu.vector_store %arg2[%swap3A, %swap3A_31], %reshape3A {strides = array<i32>} : memref<1x1xf32, #tpu.memory_space<vmem>>, vector<1x1xf32>,
    return
  }
}

</mosaic_0001>

<sc_bundles>
// kernel: kernel.4.cloned.1.call-start
scs
__scs_entry_jumppad:
0x0: {  	(pc) =	sbr.rel $0x88, $3  }
0x1: {  	(tag) =	ssettag $0x0;
	lr =	simm.s32 $0x1  }
0x2: {  	[smem:$0x3F9F] =	sst lr;
	_ =	strace $0xD0000000  }
0x3: {  	_ = 	snop  }
0x4: {  	_ = 	snop  }
0x5: {  	_ = 	snop  }
0x6: {  	_ = 	snop  }
0x7: {  	_ = 	snop  }
__scs_overlays_trampoline_lowered:
0x8: {  	[smem:$0x3FAE] =	sst s0  }
0x9: {  	[smem:$0x3FAF] =	sst s1  }
0xa: {  	[smem:$0x3FB0] =	sst s2  }
0xb: {  	[smem:$0x3FB1] =	sst s3  }
0xc: {  	[smem:$0x3FB2] =	sst s4  }
0xd: {  	[smem:$0x3FB3] =	sst s5  }
0xe: {  	[smem:$0x3FB4] =	sst s6  }
0xf: {  	[smem:$0x3FB5] =	sst s7  }
0x10: {  	[smem:$0x3FB6] =	sst s8  }
0x11: {  	[smem:$0x3FB7] =	sst s9;
	s0 =	simm.s32 @!p0 $0x0  }
0x12: {  	s1 =	sld [smem:$0x3F9D];
	s0 =	simm.s32 @p0 $0x1  }
0x13: {  	[smem:$0x3FB8] =	sst s0;
	s0 =	simm.s32 @!p1 $0x0  }
0x14: {  	s2 =	sld [smem:$0x3F9C];
	s0 =	simm.s32 @p1 $0x1  }
0x15: {  	[smem:$0x3FB9] =	sst s0;
	s0 =	simm.s32 @!p2 $0x0  }
0x16: {  	s3 =	sld [smem:$0x3FDB];
	s0 =	simm.s32 @p2 $0x1  }
0x17: {  	s4 =	simm.s32 $0x1BF5;
	[smem:$0x3FBB] =	sst s0  }
0x18: {  	s0 =	sld [smem:$0x3F9E];
	_ =	swait.ge [sflag:s4], $0x0  }
0x19: {  	s7 =	sld [smem:$0x3F9F]  }
0x1a: {  	s8 =	sadd.s32 $0xFFFFE003, lr  }
0x1b: {  	s9 =	sadd.s32 $0xFFFFFEF7, lr;
	s5 =	simm.s32 $0xFFFFFFFF;
	p2 =	slt.u32 s8, $0xFFFFF086  }
0x1c: {  	p1 =	slt.u32 s9, $0xF7A;
	s5 =	simm.s32 @!p2 $0x0  }
0x1d: {  	s5 =	simm.s32 @p1 $0x1;
	p0 =	seq.s32 s7, s2  }
0x1e: {  	s7 =	smul.u32 @!p0 $0xF7A, s2;
	p2 =	seq.s32 @!p0 s5, $0x0  }
0x1f: {  	s9 =	smul.u32 $0xF7A, s1;
	s8 =	simm.s32 @!p0 $0x1BF5;
	p2 =	por !p2, p0  }
0x20: {  	[sflag:s8] =	ssyncset.s32 @!p0 $0xFFFFF086;
	s6 =	sadd.s32 @!p0 s3, s7;
	s7 =	simm.s32 @!p0 $0x108  }
0x21: {  	s3 =	sadd.s32 s3, s9;
	s6 =	sadd.s32 @!p0 $0x88, s6;
	s7 =	simm.s32 @p2 $0x1082  }
0x22: {  	[simem:s7], [sflag:s8] =	dma.local @!p0 [hbm:s6], $0xF7A  }
0x23: {  	s9 =	sor.u32 $0xD0000000, s2;
	s6 =	simm.s32 $0x108;
	_ =	swait.ge @!p0 [sflag:s8], $0x0  }
0x24: {  	s3 =	sadd.s32 $0x88, s3;
	s6 =	simm.s32 @!p1 $0x1082;
	[sflag:s4] =	ssyncset.s32 $0xFFFFF086  }
0x25: {  	[simem:s6], [sflag:s4] =	dma.local [hbm:s3], $0xF7A  }
0x26: {  	[smem:$0x3F9F] =	sst s1;
	(tag) =	ssettag s2;
	_ =	strace s9  }
0x27: {  	s1 =	sld [smem:$0x3FAF]  }
0x28: {  	s2 =	sld [smem:$0x3FB0]  }
0x29: {  	s4 =	sld [smem:$0x3FB2]  }
0x2a: {  	p0 =	seq.s32 s5, $0x0;
	s5 =	sld [smem:$0x3FB3]  }
0x2b: {  	s6 =	sld [smem:$0x3FB4]  }
0x2c: {  	s7 =	sld [smem:$0x3FB5]  }
0x2d: {  	s3 =	simm.s32 $0x108;
	s8 =	sld [smem:$0x3FB6]  }
0x2e: {  	s3 =	simm.s32 @!p0 $0x1082;
	s9 =	sld [smem:$0x3FB7]  }
0x2f: {  	lr =	sadd.s32 s0, s3;
	s0 =	sld [smem:$0x3FAE]  }
0x30: {  	s3 =	sld [smem:$0x3FB1]  }
0x31: {  	[smem:$0x3FBA] =	sst s10  }
0x32: {  	s10 =	sld [smem:$0x3FB8];
	_ =	sdelay $0x3  }
0x33: {  	p0 =	seq.s32 s10, $0x1;
	s10 =	sld [smem:$0x3FBA];
	_ =	sdelay $0x3  }
0x34: {  	[smem:$0x3FBA] =	sst s10  }
0x35: {  	s10 =	sld [smem:$0x3FB9];
	_ =	sdelay $0x3  }
0x36: {  	p1 =	seq.s32 s10, $0x1;
	s10 =	sld [smem:$0x3FBA];
	_ =	sdelay $0x3  }
0x37: {  	[smem:$0x3FBA] =	sst s10  }
0x38: {  	s10 =	sld [smem:$0x3FBB]  }
0x39: {  	_ = 	snop;
	(pc) =	sbr.ind lr, $3  }
0x3a: {  	_ = 	snop  }
0x3b: {  	_ = 	snop  }
0x3c: {  	p2 =	seq.s32 s10, $0x1;
	s10 =	sld [smem:$0x3FBA]  }
0x3d: {  	_ =	shalt  }
0x3e: {  	_ =	shalt  }
0x3f: {  	_ =	shalt  }
0x40: {  	_ =	shalt  }
0x41: {  	_ =	shalt  }
0x42: {  	_ =	shalt  }
0x43: {  	_ =	shalt  }
0x44: {  	_ =	shalt  }
0x45: {  	_ =	shalt  }
0x46: {  	_ =	shalt  }
0x47: {  	_ =	shalt  }
0x48: {  	_ =	shalt  }
0x49: {  	_ =	shalt  }
0x4a: {  	_ =	shalt  }
0x4b: {  	_ =	shalt  }
0x4c: {  	_ =	shalt  }
0x4d: {  	_ =	shalt  }
0x4e: {  	_ =	shalt  }
0x4f: {  	_ =	shalt  }
0x50: {  	_ =	shalt  }
0x51: {  	_ =	shalt  }
0x52: {  	_ =	shalt  }
0x53: {  	_ =	shalt  }
0x54: {  	_ =	shalt  }
0x55: {  	_ =	shalt  }
0x56: {  	_ =	shalt  }
0x57: {  	_ =	shalt  }
0x58: {  	_ =	shalt  }
0x59: {  	_ =	shalt  }
0x5a: {  	_ =	shalt  }
0x5b: {  	_ =	shalt  }
0x5c: {  	_ =	shalt  }
0x5d: {  	_ =	shalt  }
0x5e: {  	_ =	shalt  }
0x5f: {  	_ =	shalt  }
0x60: {  	_ =	shalt  }
0x61: {  	_ =	shalt  }
0x62: {  	_ =	shalt  }
0x63: {  	_ =	shalt  }
0x64: {  	_ =	shalt  }
0x65: {  	_ =	shalt  }
0x66: {  	_ =	shalt  }
0x67: {  	_ =	shalt  }
0x68: {  	_ =	shalt  }
0x69: {  	_ =	shalt  }
0x6a: {  	_ =	shalt  }
0x6b: {  	_ =	shalt  }
0x6c: {  	_ =	shalt  }
0x6d: {  	_ =	shalt  }
0x6e: {  	_ =	shalt  }
0x6f: {  	_ =	shalt  }
0x70: {  	_ =	shalt  }
0x71: {  	_ =	shalt  }
0x72: {  	_ =	shalt  }
0x73: {  	_ =	shalt  }
0x74: {  	_ =	shalt  }
0x75: {  	_ =	shalt  }
0x76: {  	_ =	shalt  }
0x77: {  	_ =	shalt  }
0x78: {  	_ =	shalt  }
0x79: {  	_ =	shalt  }
0x7a: {  	_ =	shalt  }
0x7b: {  	_ =	shalt  }
0x7c: {  	_ =	shalt  }
0x7d: {  	_ =	shalt  }
0x7e: {  	_ =	shalt  }
0x7f: {  	_ =	shalt  }
0x80: {  	_ =	shalt  }
0x81: {  	_ =	shalt  }
0x82: {  	_ =	shalt  }
0x83: {  	_ =	shalt  }
0x84: {  	_ =	shalt  }
0x85: {  	_ =	shalt  }
0x86: {  	_ =	shalt  }
0x87: {  	_ =	shalt  }
.Lfunc_end0:
.L_simem_size_0:
called_computation_lowered:
.L_overlay_start_0:
0x88: {  	s2 =	sld [smem:$0x3FD9]  }
0x89: {  	s3 =	sld [smem:$0x3FFE];
	_ =	sdelay $0x1  }
0x8a: {  	s1 =	srdreg.scid  }
0x8b: {  	s0 =	sand.u32 $0x1, s1  }
0x8c: {  	s17 =	sshll.u32 s0, $0xA;
	s2 =	sadd.s32 s3, s2  }
0x8d: {  	s2 =	sadd.s32 s2, s17  }
0x8e: {  	[smem:$0x3FC6] =	sst s2  }
0x8f: {  	_ = 	snop  }
0x90: {  	s2 =	sld [smem:$0x3FC8];
	(tm) =	ssettm $0x1  }
0x91: {  	s18 =	sld [smem:$0x3FFB];
	_ =	sdelay $0x3  }
0x92: {  	_ =	strace s18  }
0x93: {  	s3 =	sld [smem:$0x3FFC];
	_ =	sdelay $0x3  }
0x94: {  	_ =	strace s3  }
0x95: {  	s3 =	sld [smem:$0x3FFD];
	_ =	sdelay $0x3  }
0x96: {  	_ =	strace s3  }
0x97: {  	_ =	strace $0x8FFFFFFF  }
0x98: {  	s19 =	sld [smem:$0x3FDB];
	_ =	sdelay $0x1  }
0x99: {  	s4 =	simm.s32 $_scs_section_size  }
0x9a: {  	s5 =	simm.s32 $_size__tile_overlayer_lowered;
	s6 =	simm.s32 $_tile_overlayer_lowered  }
0x9b: {  	s22 =	simm.s32 $0x1BFF;
	s21 =	sshll.u32 s6, $0x1;
	s3 =	sadd.s32 s4, s19  }
0x9c: {  	s7 =	simm.s32 $0x0;
	s20 =	sshll.u32 s5, $0x1;
	s5 =	sadd.s32 s21, s3  }
0x9d: {  	[timem:s7], [sflag:s22] =	dma.local [hbm:s5], s20  }
0x9e: {  	_ =	swait.ge [sflag:s22], s20  }
0x9f: {  	s4 =	ssub.s32 $0x0, s20;
	[sflag:s22] =	ssyncset.done $0x0  }
0xa0: {  	[sflag:s22] =	ssyncadd.s32 s4;
	_ =	sdelay $0x1  }
0xa1: {  	s23 =	simm.s32 $0x1B8B  }
0xa2: {  	_ =	swait.ge [sflag:s23], $0x1  }
0xa3: {  	[sflag:s23] =	ssyncset.done $0x0  }
0xa4: {  	s25 =	simm.s32 $0x1B8E;
	s24 =	sld [smem:$0x3FFE];
	[sflag:s23] =	ssyncadd.s32 $0xFFFFFFFF  }
0xa5: {  	s26 =	simm.s32 $execute0_lowered;
	[smem:$0x3FD2] =	sst s25  }
0xa6: {  	s5 =	sshll.u32 s26, $0x1;
	_ =	strace $0x80000046;
	[dreg:$0x1] =	wrdreg $0xFFFFFFFF  }
0xa7: {  	s28 =	simm.s32 $_size_execute0_lowered;
	s3 =	sadd.s32 s3, s5;
	[dreg:$0x0] =	wrdreg $0x0  }
0xa8: {  	s5 =	sshll.u32 s28, $0x1;
	[dreg:$0x2] =	wrdreg s3  }
0xa9: {  	[dreg:$0x3] =	wrdreg s5  }
0xaa: {  	[dreg:$0x4] =	wrdreg $0xC0  }
0xab: {  	_ =	task [dreg:s7], $0x5FFFF  }
0xac: {  	[dreg:$0x1] =	wrdreg $0xFFFFFFFF  }
0xad: {  	[dreg:$0x0] =	wrdreg $0x60  }
0xae: {  	[dreg:$0x2] =	wrdreg s2  }
0xaf: {  	[dreg:$0x3] =	wrdreg s24  }
0xb0: {  	[dreg:$0x4] =	wrdreg $0x9  }
0xb1: {  	_ =	task.clear_ibuf [dreg:s7], $0x5FFFF;
	_ =	strace $0x90000046  }
0xb2: {  	s29 =	simm.s32 $0x9;
	_ =	strace $0x80000048  }
0xb3: {  	_ =	swait.ge [sflag:s29], $0x1  }
0xb4: {  	[sflag:s29] =	ssyncadd.s32 $0xFFFFFFFF  }
0xb5: {  	_ =	strace $0x90000048  }
0xb6: {  	_ =	sfence  }
0xb7: {  	s30 =	sld [smem:$0x0];
	_ =	sdelay $0x2  }
0xb8: {  	s31 =	sshll.u32 s1, $0xD;
	s1 =	sshrl.u32 s1, $0x2  }
0xb9: {  	s3 =	sand.u32 $0x4000, s31;
	s1 =	sadd.s32 s1, s30  }
0xba: {  	s0 =	sor.u32 s3, s0;
	s1 =	sshll.u32 s1, $0x11  }
0xbb: {  	s0 =	sor.u32 s1, s0  }
0xbc: {  	s0 =	sadd.s32 $0x8F2B, s0  }
0xbd: {  	[sflag:s0] =	ssyncadd.remote.s32 $0x1  }
0xbe: {  	_ =	sfence.sel $0xFFFF  }
0xbf: {  	[dreg:$0x0] =	wrdreg $0xFFFFFFFF;
	(pc) =	sbr.abs _section_cstart, $3  }
0xc0: {  	[dreg:$0x1] =	wrdreg $0xFFFFFFFF  }
0xc1: {  	_ =	task.clear_ibuf [dreg:s7], $0x2FFFF;
	_ =	strace $0x9FFFFFFF  }
0xc2: {  	(tm) =	ssettm $0x7FFFFFFF  }
0xc3: {  	_ =	shalt  }
tec
execute0_lowered:
.L_overlay_start_1:
0x0: {  	(tag) =	ssettag $0x1  }
0x1: {  	s3 =	rddreg [dreg:$0x0]  }
0x2: {  	s4 =	rddreg [dreg:$0x1]  }
0x3: {  	s0 =	rddreg [dreg:$0x2];
	s2 =	simm.s32 $0x0  }
0x4: {  	s1 =	stileid.u32;
	s5 =	srdreg.scid;
	s10 =	simm.s32 $0x1  }
0x5: {  	s11 =	simm.s32 $0x2;
	s12 =	simm.s32 $0x10000;
	s13 =	simm.s32 $0x3  }
0x6: {  	s14 =	simm.s32 $0x0;
	[smem:$0x7FF] =	sst s2;
	s6 =	sshll.u32 s1, $0x4  }
0x7: {  	s5 =	sand.u32 $0x1, s5;
	s8 =	sshll.u32 s1, $0xF;
	_ =	strace $0x80000047  }
0x8: {  	s7 =	ssub.s32 $0x2, s5;
	s9 =	sshll.u32 s5, $0xE;
	s6 =	sadd.s32 s6, s4  }
0x9: {  	s31 =	sshll.u32 s5, $0x8;
	s29 =	sshrl.u32 s7, $0x1;
	s8 =	sor.u32 s9, s8  }
0xa: {  	s9 =	simm.s32 $0x8000;
	s30 =	ssub.s32 s7, s29;
	s3 =	sadd.s32 s3, s8  }
0xb: {  	s7 =	sadd.s32 s31, s6;
	s4 =	sadd.s32 $0x1000, s3;
	s5 =	sadd.s32 $0x2000, s3  }
0xc: {  	v0 =	vimm.s32 $0x1;
	s6 =	sadd.s32 $0x3000, s3;
	s7 =	sadd.s32 $0x800, s7;
	s8 =	smax.u32 s30, $0x1  }
.LBB2_1:
0xd: {  	[tilespmem:s2], [sflag:$0x1] =	stream.linear.gather [hbm4b:s3+s2], $0x8000, $0x38;
	[tilespmem:$0x10080] =	vst v63  }
0xe: {  	_ = 	snop  }
0xf: {  	[tilespmem:s9], [sflag:$0x2] =	stream.linear.gather [hbm4b:s4+s2], $0x8000, $0x38;
	[tilespmem:$0x10080] =	vst v63  }
0x10: {  	_ =	swait.ge [sflag:s10], $0x8000  }
0x11: {  	s15 =	sand.u32 $0x7000, s2;
	s16 =	sand.u32 $0x380, s2;
	[sflag:s10] =	ssyncset.done $0x0  }
0x12: {  	s15 =	sor.u32 s16, s15;
	[sflag:s10] =	ssyncadd.s32 $0xFFFF8000  }
0x13: {  	v1 =	vld [tilespmem:s15+$0xC60]  }
0x14: {  	v3 =	vld [tilespmem:s15+$0xC40]  }
0x15: {  	v4 =	vld [tilespmem:s15+$0xC20]  }
0x16: {  	v2 =	vld [tilespmem:s15+$0xC00]  }
0x17: {  	v5 =	vld [tilespmem:s15+$0x860]  }
0x18: {  	v7 =	vld [tilespmem:s15+$0x840]  }
0x19: {  	v8 =	vld [tilespmem:s15+$0x820]  }
0x1a: {  	v9 =	vld [tilespmem:s15+$0x800]  }
0x1b: {  	v6 =	vld [tilespmem:s15+$0x460]  }
0x1c: {  	v10 =	vld [tilespmem:s15+$0x440]  }
0x1d: {  	v11 =	vld [tilespmem:s15+$0x420]  }
0x1e: {  	v12 =	vld [tilespmem:s15+$0x400]  }
0x1f: {  	v15 =	vld [tilespmem:s15+$0x60]  }
0x20: {  	v16 =	vld [tilespmem:s15+$0x40]  }
0x21: {  	v13 =	vimm.s32 $0x0;
	v14 =	vimm.s32 $0x0;
	s17 =	simm.s32 $0x0;
	s16 =	simm.s32 $0x200;
	v17 =	vld [tilespmem:s15+$0x20]  }
.LBB2_2:
0x22: {  	p0 =	sne.s32 s16, $0x7E00;
	v18 =	vld [tilespmem:s15+$0x0]  }
0x23: {  	v20 =	vshll.u32 v0, v3;
	v21 =	vshll.u32 v0, v1;
	v19 =	vld [tilespmem:s15+$0x10]  }
0x24: {  	v5 =	vshll.u32 v0, v5;
	v2 =	vshll.u32 v0, v2;
	v22 =	vshll.u32 v0, v4;
	v1 =	vld [tilespmem:s15+$0x30]  }
0x25: {  	v4 =	vshll.u32 v0, v9;
	v8 =	vshll.u32 v0, v8;
	v7 =	vshll.u32 v0, v7;
	v3 =	vld [tilespmem:s15+$0x50]  }
0x26: {  	v11 =	vshll.u32 v0, v11;
	v10 =	vshll.u32 v0, v10;
	v6 =	vshll.u32 v0, v6;
	v9 =	vld [tilespmem:s15+$0x70]  }
0x27: {  	v12 =	vshll.u32 v0, v12;
	v15 =	vshll.u32 v0, v15;
	v16 =	vshll.u32 v0, v16;
	v23 =	vld [tilespmem:s15+$0x410]  }
0x28: {  	v17 =	vshll.u32 v0, v17;
	v18 =	vshll.u32 v0, v18;
	v19 =	vshll.u32 v0, v19;
	v24 =	vld [tilespmem:s15+$0x430]  }
0x29: {  	v13 =	vor.u32 v13, v18;
	v1 =	vshll.u32 v0, v1;
	v25 =	vld [tilespmem:s15+$0x450];
	v14 =	vor.u32 v14, v19  }
0x2a: {  	v13 =	vor.u32 v17, v13;
	v3 =	vshll.u32 v0, v3;
	v18 =	vld [tilespmem:s15+$0x470];
	v1 =	vor.u32 v1, v14  }
0x2b: {  	v13 =	vor.u32 v16, v13;
	v9 =	vshll.u32 v0, v9;
	v14 =	vld [tilespmem:s15+$0x810];
	v1 =	vor.u32 v3, v1  }
0x2c: {  	v13 =	vor.u32 v15, v13;
	v3 =	vshll.u32 v0, v23;
	v16 =	vld [tilespmem:s15+$0x830];
	v1 =	vor.u32 v9, v1  }
0x2d: {  	v12 =	vor.u32 v12, v13;
	v9 =	vshll.u32 v0, v24;
	v15 =	vld [tilespmem:s15+$0x850];
	v1 =	vor.u32 v3, v1  }
0x2e: {  	v11 =	vor.u32 v11, v12;
	v3 =	vshll.u32 v0, v25;
	v13 =	vld [tilespmem:s15+$0x870];
	v1 =	vor.u32 v9, v1  }
0x2f: {  	v10 =	vor.u32 v10, v11;
	v9 =	vshll.u32 v0, v18;
	v12 =	vld [tilespmem:s15+$0xC10];
	v1 =	vor.u32 v3, v1  }
0x30: {  	s17 =	sadd.s32 $0x80, s17;
	v6 =	vor.u32 v6, v10;
	v3 =	vshll.u32 v0, v14;
	v11 =	vld [tilespmem:s15+$0xC30];
	v1 =	vor.u32 v9, v1  }
0x31: {  	s18 =	sand.u32 $0x7000, s16;
	s19 =	sand.u32 $0x380, s17;
	v4 =	vor.u32 v4, v6;
	v9 =	vshll.u32 v0, v16;
	v10 =	vld [tilespmem:s15+$0xC50];
	v1 =	vor.u32 v3, v1  }
0x32: {  	v4 =	vor.u32 v8, v4;
	v3 =	vshll.u32 v0, v15;
	v6 =	vld [tilespmem:s15+$0xC70];
	s15 =	sor.u32 s19, s18;
	v8 =	vor.u32 v9, v1  }
0x33: {  	v4 =	vor.u32 v7, v4;
	v1 =	vld [tilespmem:s15+$0xC60];
	v9 =	vshll.u32 v0, v13;
	v7 =	vor.u32 v3, v8  }
0x34: {  	v5 =	vor.u32 v5, v4;
	v3 =	vld [tilespmem:s15+$0xC40];
	v8 =	vshll.u32 v0, v12;
	v7 =	vor.u32 v9, v7  }
0x35: {  	v5 =	vor.u32 v2, v5;
	v4 =	vld [tilespmem:s15+$0xC20];
	v9 =	vshll.u32 v0, v11;
	v7 =	vor.u32 v8, v7  }
0x36: {  	v2 =	vld [tilespmem:s15+$0xC00];
	v8 =	vshll.u32 v0, v10;
	v10 =	vor.u32 v22, v5;
	v7 =	vor.u32 v9, v7  }
0x37: {  	v5 =	vld [tilespmem:s15+$0x860];
	v9 =	vor.u32 v20, v10;
	v6 =	vshll.u32 v0, v6;
	v8 =	vor.u32 v8, v7  }
0x38: {  	v7 =	vld [tilespmem:s15+$0x840];
	v13 =	vor.u32 v21, v9;
	v14 =	vor.u32 v6, v8  }
0x39: {  	v8 =	vld [tilespmem:s15+$0x820]  }
0x3a: {  	v9 =	vld [tilespmem:s15+$0x800]  }
0x3b: {  	v6 =	vld [tilespmem:s15+$0x460]  }
0x3c: {  	v10 =	vld [tilespmem:s15+$0x440]  }
.Ltmp0:
0x3d: {  	v11 =	vld [tilespmem:s15+$0x420];
	(pc) =	sbr.rel @p0 .LBB2_2-.Ltmp0, $4  }
0x3e: {  	v12 =	vld [tilespmem:s15+$0x400]  }
0x3f: {  	v15 =	vld [tilespmem:s15+$0x60]  }
0x40: {  	v16 =	vld [tilespmem:s15+$0x40]  }
0x41: {  	s16 =	sadd.s32 $0x200, s16;
	v17 =	vld [tilespmem:s15+$0x20]  }
0x42: {  	v18 =	vld [tilespmem:s15+$0x0]  }
0x43: {  	v19 =	vld [tilespmem:s15+$0x10]  }
0x44: {  	v20 =	vld [tilespmem:s15+$0x30]  }
0x45: {  	v21 =	vld [tilespmem:s15+$0x50]  }
0x46: {  	v22 =	vld [tilespmem:s15+$0x70]  }
0x47: {  	v23 =	vld [tilespmem:s15+$0x410]  }
0x48: {  	v24 =	vld [tilespmem:s15+$0x430]  }
0x49: {  	v25 =	vld [tilespmem:s15+$0x450]  }
0x4a: {  	v26 =	vld [tilespmem:s15+$0x470]  }
0x4b: {  	v27 =	vld [tilespmem:s15+$0x810]  }
0x4c: {  	v28 =	vld [tilespmem:s15+$0x830]  }
0x4d: {  	v29 =	vld [tilespmem:s15+$0x850]  }
0x4e: {  	v30 =	vld [tilespmem:s15+$0x870]  }
0x4f: {  	v31 =	vld [tilespmem:s15+$0xC10];
	v11 =	vshll.u32 v0, v11;
	v10 =	vshll.u32 v0, v10  }
0x50: {  	v32 =	vld [tilespmem:s15+$0xC30];
	v12 =	vshll.u32 v0, v12;
	v16 =	vshll.u32 v0, v16;
	v18 =	vshll.u32 v0, v18  }
0x51: {  	s16 =	simm.s32 $0x0;
	v17 =	vshll.u32 v0, v17;
	v19 =	vshll.u32 v0, v19;
	v13 =	vor.u32 v13, v18;
	v18 =	vld [tilespmem:s15+$0xC50]  }
0x52: {  	v14 =	vor.u32 v14, v19;
	v19 =	vshll.u32 v0, v20;
	v13 =	vor.u32 v17, v13;
	v17 =	vld [tilespmem:s15+$0xC70];
	[tilespmem:s16], [sflag:$0x1] =	stream.linear.gather [hbm4b:s5+s16], $0x8000, $0x38  }
0x53: {  	v14 =	vor.u32 v19, v14;
	v13 =	vor.u32 v16, v13;
	v16 =	vshll.u32 v0, v21;
	_ =	swait.ge [sflag:s11], $0x8000  }
0x54: {  	s31 =	sand.u32 $0x7000, s16;
	s17 =	sand.u32 $0x380, s16;
	v15 =	vshll.u32 v0, v15;
	v14 =	vor.u32 v16, v14;
	v16 =	vshll.u32 v0, v22;
	[sflag:s11] =	ssyncset.done $0x0  }
0x55: {  	s15 =	sor.u32 s17, s31;
	v19 =	vshll.u32 v0, v1;
	v13 =	vor.u32 v15, v13;
	v14 =	vor.u32 v16, v14;
	[sflag:s11] =	ssyncadd.s32 $0xFFFF8000  }
0x56: {  	v12 =	vor.u32 v12, v13;
	v13 =	vshll.u32 v0, v3;
	v3 =	vshll.u32 v0, v23;
	v1 =	vld [tilespmem:s15+$0x8C60]  }
0x57: {  	v9 =	vshll.u32 v0, v9;
	v15 =	vshll.u32 v0, v5;
	v14 =	vor.u32 v3, v14;
	v3 =	vld [tilespmem:s15+$0x8C40]  }
0x58: {  	v5 =	vshll.u32 v0, v24;
	v11 =	vor.u32 v11, v12;
	v12 =	vshll.u32 v0, v2;
	v2 =	vld [tilespmem:s15+$0x8C20]  }
0x59: {  	v8 =	vshll.u32 v0, v8;
	v16 =	vshll.u32 v0, v4;
	v14 =	vor.u32 v5, v14;
	v5 =	vld [tilespmem:s15+$0x8C00]  }
0x5a: {  	v4 =	vshll.u32 v0, v25;
	v10 =	vor.u32 v10, v11;
	v11 =	vshll.u32 v0, v6;
	v6 =	vld [tilespmem:s15+$0x8860]  }
0x5b: {  	v57 =	vshll.u32 v0, v26;
	v58 =	vshll.u32 v0, v27;
	v14 =	vor.u32 v4, v14;
	v4 =	vld [tilespmem:s15+$0x8840]  }
0x5c: {  	v10 =	vor.u32 v11, v10;
	v11 =	vshll.u32 v0, v7;
	v7 =	vld [tilespmem:s15+$0x8820];
	v14 =	vor.u32 v57, v14  }
0x5d: {  	v59 =	vshll.u32 v0, v28;
	v10 =	vor.u32 v9, v10;
	v9 =	vld [tilespmem:s15+$0x8800];
	v14 =	vor.u32 v58, v14  }
0x5e: {  	v60 =	vshll.u32 v0, v29;
	v10 =	vor.u32 v8, v10;
	v8 =	vld [tilespmem:s15+$0x8460];
	v14 =	vor.u32 v59, v14  }
0x5f: {  	v61 =	vshll.u32 v0, v30;
	v11 =	vor.u32 v11, v10;
	v10 =	vld [tilespmem:s15+$0x8440];
	v14 =	vor.u32 v60, v14  }
0x60: {  	v62 =	vshll.u32 v0, v31;
	v15 =	vor.u32 v15, v11;
	v11 =	vld [tilespmem:s15+$0x8420];
	v14 =	vor.u32 v61, v14  }
0x61: {  	v63 =	vshll.u32 v0, v32;
	v15 =	vor.u32 v12, v15;
	v12 =	vld [tilespmem:s15+$0x8400];
	v14 =	vor.u32 v62, v14  }
0x62: {  	v18 =	vshll.u32 v0, v18;
	v16 =	vor.u32 v16, v15;
	v15 =	vld [tilespmem:s15+$0x8060];
	v14 =	vor.u32 v63, v14  }
0x63: {  	v17 =	vshll.u32 v0, v17;
	v13 =	vor.u32 v13, v16;
	v16 =	vld [tilespmem:s15+$0x8040];
	v18 =	vor.u32 v18, v14  }
0x64: {  	s17 =	simm.s32 $0x200;
	v14 =	vor.u32 v19, v13;
	v13 =	vor.u32 v17, v18;
	v17 =	vld [tilespmem:s15+$0x8020]  }
.LBB2_4:
0x65: {  	p0 =	sne.s32 s17, $0x7E00;
	v18 =	vld [tilespmem:s15+$0x8000]  }
0x66: {  	v20 =	vshll.u32 v0, v3;
	v21 =	vshll.u32 v0, v1;
	v19 =	vld [tilespmem:s15+$0x8010]  }
0x67: {  	v6 =	vshll.u32 v0, v6;
	v5 =	vshll.u32 v0, v5;
	v22 =	vshll.u32 v0, v2;
	v1 =	vld [tilespmem:s15+$0x8030]  }
0x68: {  	v3 =	vshll.u32 v0, v9;
	v7 =	vshll.u32 v0, v7;
	v4 =	vshll.u32 v0, v4;
	v2 =	vld [tilespmem:s15+$0x8050]  }
0x69: {  	v11 =	vshll.u32 v0, v11;
	v10 =	vshll.u32 v0, v10;
	v8 =	vshll.u32 v0, v8;
	v9 =	vld [tilespmem:s15+$0x8070]  }
0x6a: {  	v12 =	vshll.u32 v0, v12;
	v15 =	vshll.u32 v0, v15;
	v16 =	vshll.u32 v0, v16;
	v23 =	vld [tilespmem:s15+$0x8410]  }
0x6b: {  	v17 =	vshll.u32 v0, v17;
	v18 =	vshll.u32 v0, v18;
	v19 =	vshll.u32 v0, v19;
	v24 =	vld [tilespmem:s15+$0x8430]  }
0x6c: {  	v14 =	vor.u32 v14, v18;
	v1 =	vshll.u32 v0, v1;
	v25 =	vld [tilespmem:s15+$0x8450];
	v13 =	vor.u32 v13, v19  }
0x6d: {  	v14 =	vor.u32 v17, v14;
	v2 =	vshll.u32 v0, v2;
	v18 =	vld [tilespmem:s15+$0x8470];
	v1 =	vor.u32 v1, v13  }
0x6e: {  	v14 =	vor.u32 v16, v14;
	v9 =	vshll.u32 v0, v9;
	v13 =	vld [tilespmem:s15+$0x8810];
	v1 =	vor.u32 v2, v1  }
0x6f: {  	v14 =	vor.u32 v15, v14;
	v2 =	vshll.u32 v0, v23;
	v16 =	vld [tilespmem:s15+$0x8830];
	v1 =	vor.u32 v9, v1  }
0x70: {  	v12 =	vor.u32 v12, v14;
	v9 =	vshll.u32 v0, v24;
	v15 =	vld [tilespmem:s15+$0x8850];
	v1 =	vor.u32 v2, v1  }
0x71: {  	v11 =	vor.u32 v11, v12;
	v2 =	vshll.u32 v0, v25;
	v14 =	vld [tilespmem:s15+$0x8870];
	v1 =	vor.u32 v9, v1  }
0x72: {  	v10 =	vor.u32 v10, v11;
	v9 =	vshll.u32 v0, v18;
	v12 =	vld [tilespmem:s15+$0x8C10];
	v1 =	vor.u32 v2, v1  }
0x73: {  	s16 =	sadd.s32 $0x80, s16;
	v8 =	vor.u32 v8, v10;
	v2 =	vshll.u32 v0, v13;
	v11 =	vld [tilespmem:s15+$0x8C30];
	v1 =	vor.u32 v9, v1  }
0x74: {  	s18 =	sand.u32 $0x7000, s17;
	s19 =	sand.u32 $0x380, s16;
	v3 =	vor.u32 v3, v8;
	v9 =	vshll.u32 v0, v16;
	v10 =	vld [tilespmem:s15+$0x8C50];
	v1 =	vor.u32 v2, v1  }
0x75: {  	v3 =	vor.u32 v7, v3;
	v2 =	vshll.u32 v0, v15;
	v8 =	vld [tilespmem:s15+$0x8C70];
	s15 =	sor.u32 s19, s18;
	v7 =	vor.u32 v9, v1  }
0x76: {  	v4 =	vor.u32 v4, v3;
	v1 =	vld [tilespmem:s15+$0x8C60];
	v9 =	vshll.u32 v0, v14;
	v2 =	vor.u32 v2, v7  }
0x77: {  	v4 =	vor.u32 v6, v4;
	v3 =	vld [tilespmem:s15+$0x8C40];
	v7 =	vshll.u32 v0, v12;
	v6 =	vor.u32 v9, v2  }
0x78: {  	v4 =	vor.u32 v5, v4;
	v2 =	vld [tilespmem:s15+$0x8C20];
	v9 =	vshll.u32 v0, v11;
	v6 =	vor.u32 v7, v6  }
0x79: {  	v4 =	vor.u32 v22, v4;
	v5 =	vld [tilespmem:s15+$0x8C00];
	v7 =	vshll.u32 v0, v10;
	v9 =	vor.u32 v9, v6  }
0x7a: {  	v10 =	vor.u32 v20, v4;
	v6 =	vld [tilespmem:s15+$0x8860];
	v8 =	vshll.u32 v0, v8;
	v7 =	vor.u32 v7, v9  }
0x7b: {  	v14 =	vor.u32 v21, v10;
	v4 =	vld [tilespmem:s15+$0x8840];
	v13 =	vor.u32 v8, v7  }
0x7c: {  	v7 =	vld [tilespmem:s15+$0x8820]  }
0x7d: {  	v9 =	vld [tilespmem:s15+$0x8800]  }
0x7e: {  	v8 =	vld [tilespmem:s15+$0x8460]  }
0x7f: {  	v10 =	vld [tilespmem:s15+$0x8440]  }
.Ltmp1:
0x80: {  	v11 =	vld [tilespmem:s15+$0x8420];
	(pc) =	sbr.rel @p0 .LBB2_4-.Ltmp1, $4  }
0x81: {  	v12 =	vld [tilespmem:s15+$0x8400]  }
0x82: {  	v15 =	vld [tilespmem:s15+$0x8060]  }
0x83: {  	v16 =	vld [tilespmem:s15+$0x8040]  }
0x84: {  	s17 =	sadd.s32 $0x200, s17;
	v17 =	vld [tilespmem:s15+$0x8020]  }
0x85: {  	v18 =	vld [tilespmem:s15+$0x8000]  }
0x86: {  	v19 =	vld [tilespmem:s15+$0x8010]  }
0x87: {  	v20 =	vld [tilespmem:s15+$0x8030]  }
0x88: {  	v21 =	vld [tilespmem:s15+$0x8050]  }
0x89: {  	v22 =	vld [tilespmem:s15+$0x8070]  }
0x8a: {  	v23 =	vld [tilespmem:s15+$0x8410]  }
0x8b: {  	v24 =	vld [tilespmem:s15+$0x8430]  }
0x8c: {  	v25 =	vld [tilespmem:s15+$0x8450]  }
0x8d: {  	v26 =	vld [tilespmem:s15+$0x8470]  }
0x8e: {  	v27 =	vld [tilespmem:s15+$0x8810]  }
0x8f: {  	v28 =	vld [tilespmem:s15+$0x8830]  }
0x90: {  	v29 =	vld [tilespmem:s15+$0x8850]  }
0x91: {  	v30 =	vld [tilespmem:s15+$0x8870]  }
0x92: {  	v31 =	vld [tilespmem:s15+$0x8C10];
	v11 =	vshll.u32 v0, v11;
	v9 =	vshll.u32 v0, v9  }
0x93: {  	v32 =	vld [tilespmem:s15+$0x8C30];
	v12 =	vshll.u32 v0, v12;
	v16 =	vshll.u32 v0, v16;
	v18 =	vshll.u32 v0, v18  }
0x94: {  	s16 =	simm.s32 $0x0;
	v17 =	vshll.u32 v0, v17;
	v19 =	vshll.u32 v0, v19;
	v14 =	vor.u32 v14, v18;
	v18 =	vld [tilespmem:s15+$0x8C50]  }
0x95: {  	v13 =	vor.u32 v13, v19;
	v19 =	vshll.u32 v0, v20;
	v14 =	vor.u32 v17, v14;
	v17 =	vld [tilespmem:s15+$0x8C70];
	[tilespmem:s9], [sflag:$0x2] =	stream.linear.gather [hbm4b:s6+s16], $0x8000, $0x38  }
0x96: {  	v13 =	vor.u32 v19, v13;
	v14 =	vor.u32 v16, v14;
	v16 =	vshll.u32 v0, v21;
	_ =	swait.ge [sflag:s10], $0x8000  }
0x97: {  	s31 =	sand.u32 $0x7000, s16;
	s17 =	sand.u32 $0x380, s16;
	v15 =	vshll.u32 v0, v15;
	v13 =	vor.u32 v16, v13;
	v16 =	vshll.u32 v0, v22;
	[sflag:s10] =	ssyncset.done $0x0  }
0x98: {  	s15 =	sor.u32 s17, s31;
	v19 =	vshll.u32 v0, v1;
	v14 =	vor.u32 v15, v14;
	v13 =	vor.u32 v16, v13;
	[sflag:s10] =	ssyncadd.s32 $0xFFFF8000  }
0x99: {  	v12 =	vor.u32 v12, v14;
	v14 =	vshll.u32 v0, v3;
	v3 =	vshll.u32 v0, v23;
	v1 =	vld [tilespmem:s15+$0xC60]  }
0x9a: {  	v7 =	vshll.u32 v0, v7;
	v3 =	vor.u32 v3, v13;
	v13 =	vshll.u32 v0, v6;
	v6 =	vld [tilespmem:s15+$0xC40]  }
0x9b: {  	v15 =	vshll.u32 v0, v24;
	v16 =	vshll.u32 v0, v8;
	v11 =	vor.u32 v11, v12;
	v8 =	vld [tilespmem:s15+$0x860]  }
0x9c: {  	v12 =	vshll.u32 v0, v5;
	v5 =	vshll.u32 v0, v10;
	v10 =	vor.u32 v15, v3;
	v3 =	vld [tilespmem:s15+$0xC20]  }
0x9d: {  	v15 =	vshll.u32 v0, v2;
	v2 =	vshll.u32 v0, v25;
	v11 =	vor.u32 v5, v11;
	v5 =	vld [tilespmem:s15+$0xC00]  }
0x9e: {  	v57 =	vshll.u32 v0, v26;
	v58 =	vshll.u32 v0, v27;
	v10 =	vor.u32 v2, v10;
	v2 =	vld [tilespmem:s15+$0x840]  }
0x9f: {  	v11 =	vor.u32 v16, v11;
	v16 =	vshll.u32 v0, v4;
	v4 =	vld [tilespmem:s15+$0x820];
	v10 =	vor.u32 v57, v10  }
0xa0: {  	v59 =	vshll.u32 v0, v28;
	v11 =	vor.u32 v9, v11;
	v9 =	vld [tilespmem:s15+$0x800];
	v10 =	vor.u32 v58, v10  }
0xa1: {  	v60 =	vshll.u32 v0, v29;
	v11 =	vor.u32 v7, v11;
	v7 =	vld [tilespmem:s15+$0x460];
	v10 =	vor.u32 v59, v10  }
0xa2: {  	v61 =	vshll.u32 v0, v30;
	v11 =	vor.u32 v16, v11;
	v16 =	vor.u32 v60, v10;
	v10 =	vld [tilespmem:s15+$0x440]  }
0xa3: {  	v62 =	vshll.u32 v0, v31;
	v13 =	vor.u32 v13, v11;
	v11 =	vld [tilespmem:s15+$0x420];
	v16 =	vor.u32 v61, v16  }
0xa4: {  	v63 =	vshll.u32 v0, v32;
	v13 =	vor.u32 v12, v13;
	v12 =	vld [tilespmem:s15+$0x400];
	v16 =	vor.u32 v62, v16  }
0xa5: {  	v18 =	vshll.u32 v0, v18;
	v13 =	vor.u32 v15, v13;
	v15 =	vld [tilespmem:s15+$0x60];
	v16 =	vor.u32 v63, v16  }
0xa6: {  	v17 =	vshll.u32 v0, v17;
	v13 =	vor.u32 v14, v13;
	v18 =	vor.u32 v18, v16;
	v16 =	vld [tilespmem:s15+$0x40]  }
0xa7: {  	s17 =	simm.s32 $0x200;
	v14 =	vor.u32 v19, v13;
	v13 =	vor.u32 v17, v18;
	v17 =	vld [tilespmem:s15+$0x20]  }
.LBB2_6:
0xa8: {  	p0 =	sne.s32 s17, $0x7E00;
	v18 =	vld [tilespmem:s15+$0x0]  }
0xa9: {  	v20 =	vshll.u32 v0, v6;
	v21 =	vshll.u32 v0, v1;
	v19 =	vld [tilespmem:s15+$0x10]  }
0xaa: {  	v8 =	vshll.u32 v0, v8;
	v5 =	vshll.u32 v0, v5;
	v22 =	vshll.u32 v0, v3;
	v1 =	vld [tilespmem:s15+$0x30]  }
0xab: {  	v6 =	vshll.u32 v0, v9;
	v4 =	vshll.u32 v0, v4;
	v2 =	vshll.u32 v0, v2;
	v3 =	vld [tilespmem:s15+$0x50]  }
0xac: {  	v11 =	vshll.u32 v0, v11;
	v10 =	vshll.u32 v0, v10;
	v7 =	vshll.u32 v0, v7;
	v9 =	vld [tilespmem:s15+$0x70]  }
0xad: {  	v12 =	vshll.u32 v0, v12;
	v15 =	vshll.u32 v0, v15;
	v16 =	vshll.u32 v0, v16;
	v23 =	vld [tilespmem:s15+$0x410]  }
0xae: {  	v17 =	vshll.u32 v0, v17;
	v18 =	vshll.u32 v0, v18;
	v19 =	vshll.u32 v0, v19;
	v24 =	vld [tilespmem:s15+$0x430]  }
0xaf: {  	v14 =	vor.u32 v14, v18;
	v1 =	vshll.u32 v0, v1;
	v25 =	vld [tilespmem:s15+$0x450];
	v13 =	vor.u32 v13, v19  }
0xb0: {  	v14 =	vor.u32 v17, v14;
	v3 =	vshll.u32 v0, v3;
	v18 =	vld [tilespmem:s15+$0x470];
	v1 =	vor.u32 v1, v13  }
0xb1: {  	v14 =	vor.u32 v16, v14;
	v9 =	vshll.u32 v0, v9;
	v13 =	vld [tilespmem:s15+$0x810];
	v1 =	vor.u32 v3, v1  }
0xb2: {  	v14 =	vor.u32 v15, v14;
	v3 =	vshll.u32 v0, v23;
	v16 =	vld [tilespmem:s15+$0x830];
	v1 =	vor.u32 v9, v1  }
0xb3: {  	v12 =	vor.u32 v12, v14;
	v9 =	vshll.u32 v0, v24;
	v15 =	vld [tilespmem:s15+$0x850];
	v1 =	vor.u32 v3, v1  }
0xb4: {  	v11 =	vor.u32 v11, v12;
	v3 =	vshll.u32 v0, v25;
	v14 =	vld [tilespmem:s15+$0x870];
	v1 =	vor.u32 v9, v1  }
0xb5: {  	v10 =	vor.u32 v10, v11;
	v9 =	vshll.u32 v0, v18;
	v12 =	vld [tilespmem:s15+$0xC10];
	v1 =	vor.u32 v3, v1  }
0xb6: {  	s16 =	sadd.s32 $0x80, s16;
	v7 =	vor.u32 v7, v10;
	v3 =	vshll.u32 v0, v13;
	v11 =	vld [tilespmem:s15+$0xC30];
	v1 =	vor.u32 v9, v1  }
0xb7: {  	s18 =	sand.u32 $0x7000, s17;
	s19 =	sand.u32 $0x380, s16;
	v6 =	vor.u32 v6, v7;
	v9 =	vshll.u32 v0, v16;
	v10 =	vld [tilespmem:s15+$0xC50];
	v1 =	vor.u32 v3, v1  }
0xb8: {  	v4 =	vor.u32 v4, v6;
	v3 =	vshll.u32 v0, v15;
	v7 =	vld [tilespmem:s15+$0xC70];
	s15 =	sor.u32 s19, s18;
	v6 =	vor.u32 v9, v1  }
0xb9: {  	v2 =	vor.u32 v2, v4;
	v1 =	vld [tilespmem:s15+$0xC60];
	v9 =	vshll.u32 v0, v14;
	v3 =	vor.u32 v3, v6  }
0xba: {  	v2 =	vor.u32 v8, v2;
	v6 =	vld [tilespmem:s15+$0xC40];
	v4 =	vshll.u32 v0, v12;
	v8 =	vor.u32 v9, v3  }
0xbb: {  	v2 =	vor.u32 v5, v2;
	v3 =	vld [tilespmem:s15+$0xC20];
	v9 =	vshll.u32 v0, v11;
	v4 =	vor.u32 v4, v8  }
0xbc: {  	v2 =	vor.u32 v22, v2;
	v5 =	vld [tilespmem:s15+$0xC00];
	v10 =	vshll.u32 v0, v10;
	v4 =	vor.u32 v9, v4  }
0xbd: {  	v9 =	vor.u32 v20, v2;
	v8 =	vld [tilespmem:s15+$0x860];
	v7 =	vshll.u32 v0, v7;
	v4 =	vor.u32 v10, v4  }
0xbe: {  	v14 =	vor.u32 v21, v9;
	v2 =	vld [tilespmem:s15+$0x840];
	v13 =	vor.u32 v7, v4  }
0xbf: {  	v4 =	vld [tilespmem:s15+$0x820]  }
0xc0: {  	v9 =	vld [tilespmem:s15+$0x800]  }
0xc1: {  	v7 =	vld [tilespmem:s15+$0x460]  }
0xc2: {  	v10 =	vld [tilespmem:s15+$0x440]  }
.Ltmp2:
0xc3: {  	v11 =	vld [tilespmem:s15+$0x420];
	(pc) =	sbr.rel @p0 .LBB2_6-.Ltmp2, $4  }
0xc4: {  	v12 =	vld [tilespmem:s15+$0x400]  }
0xc5: {  	v15 =	vld [tilespmem:s15+$0x60]  }
0xc6: {  	v16 =	vld [tilespmem:s15+$0x40]  }
0xc7: {  	s17 =	sadd.s32 $0x200, s17;
	v17 =	vld [tilespmem:s15+$0x20]  }
0xc8: {  	v18 =	vld [tilespmem:s15+$0x0]  }
0xc9: {  	v19 =	vld [tilespmem:s15+$0x10]  }
0xca: {  	v20 =	vld [tilespmem:s15+$0x30]  }
0xcb: {  	v21 =	vld [tilespmem:s15+$0x50]  }
0xcc: {  	v22 =	vld [tilespmem:s15+$0x70]  }
0xcd: {  	v23 =	vld [tilespmem:s15+$0x410]  }
0xce: {  	v24 =	vld [tilespmem:s15+$0x430]  }
0xcf: {  	v25 =	vld [tilespmem:s15+$0x450]  }
0xd0: {  	v26 =	vld [tilespmem:s15+$0x470]  }
0xd1: {  	v27 =	vld [tilespmem:s15+$0x810]  }
0xd2: {  	v28 =	vld [tilespmem:s15+$0x830]  }
0xd3: {  	v29 =	vld [tilespmem:s15+$0x850]  }
0xd4: {  	v30 =	vld [tilespmem:s15+$0x870];
	v60 =	vshll.u32 v0, v1;
	v11 =	vshll.u32 v0, v11  }
0xd5: {  	v31 =	vld [tilespmem:s15+$0xC10];
	v10 =	vshll.u32 v0, v10;
	v61 =	vshll.u32 v0, v3;
	v18 =	vshll.u32 v0, v18  }
0xd6: {  	v7 =	vshll.u32 v0, v7;
	v17 =	vshll.u32 v0, v17;
	v14 =	vor.u32 v14, v18;
	v18 =	vld [tilespmem:s15+$0xC30]  }
0xd7: {  	v16 =	vshll.u32 v0, v16;
	v19 =	vshll.u32 v0, v19;
	v14 =	vor.u32 v17, v14;
	v17 =	vld [tilespmem:s15+$0xC50]  }
0xd8: {  	s16 =	simm.s32 $0x0;
	v13 =	vor.u32 v13, v19;
	v19 =	vshll.u32 v0, v20;
	v14 =	vor.u32 v16, v14;
	v16 =	vld [tilespmem:s15+$0xC70];
	_ =	swait.ge [sflag:s11], $0x8000  }
0xd9: {  	v12 =	vshll.u32 v0, v12;
	s31 =	sand.u32 $0x7000, s16;
	s17 =	sand.u32 $0x380, s16;
	v13 =	vor.u32 v19, v13;
	v19 =	vshll.u32 v0, v21;
	[sflag:s11] =	ssyncset.done $0x0  }
0xda: {  	v15 =	vshll.u32 v0, v15;
	v13 =	vor.u32 v19, v13;
	v19 =	vshll.u32 v0, v22;
	s15 =	sor.u32 s17, s31;
	[sflag:s11] =	ssyncadd.s32 $0xFFFF8000  }
0xdb: {  	v13 =	vor.u32 v19, v13;
	v19 =	vshll.u32 v0, v6;
	v6 =	vshll.u32 v0, v23;
	v1 =	vld [tilespmem:s15+$0x8C60]  }
0xdc: {  	v14 =	vor.u32 v15, v14;
	v15 =	vshll.u32 v0, v5;
	v13 =	vor.u32 v6, v13;
	v6 =	vld [tilespmem:s15+$0x8C40]  }
0xdd: {  	v12 =	vor.u32 v12, v14;
	v14 =	vshll.u32 v0, v8;
	v8 =	vshll.u32 v0, v24;
	v5 =	vld [tilespmem:s15+$0x8C20]  }
0xde: {  	v11 =	vor.u32 v11, v12;
	v8 =	vor.u32 v8, v13;
	v12 =	vshll.u32 v0, v25;
	v3 =	vld [tilespmem:s15+$0x8C00]  }
0xdf: {  	v10 =	vor.u32 v10, v11;
	v11 =	vshll.u32 v0, v9;
	v9 =	vor.u32 v12, v8;
	v8 =	vld [tilespmem:s15+$0x8860]  }
0xe0: {  	v2 =	vshll.u32 v0, v2;
	v13 =	vshll.u32 v0, v26;
	v12 =	vshll.u32 v0, v4;
	v4 =	vld [tilespmem:s15+$0x8840]  }
0xe1: {  	v7 =	vor.u32 v7, v10;
	v10 =	vshll.u32 v0, v27;
	v13 =	vor.u32 v13, v9;
	v9 =	vld [tilespmem:s15+$0x8820]  }
0xe2: {  	v62 =	vshll.u32 v0, v28;
	v7 =	vor.u32 v11, v7;
	v10 =	vor.u32 v10, v13;
	v11 =	vld [tilespmem:s15+$0x8800]  }
0xe3: {  	v13 =	vshll.u32 v0, v29;
	v7 =	vor.u32 v12, v7;
	v12 =	vor.u32 v62, v10;
	v10 =	vld [tilespmem:s15+$0x8460]  }
0xe4: {  	v63 =	vshll.u32 v0, v30;
	v2 =	vor.u32 v2, v7;
	v7 =	vor.u32 v13, v12;
	v12 =	vld [tilespmem:s15+$0x8440]  }
0xe5: {  	v13 =	vshll.u32 v0, v31;
	v2 =	vor.u32 v14, v2;
	v7 =	vor.u32 v63, v7;
	v14 =	vld [tilespmem:s15+$0x8420]  }
0xe6: {  	v18 =	vshll.u32 v0, v18;
	v2 =	vor.u32 v15, v2;
	v7 =	vor.u32 v13, v7;
	v13 =	vld [tilespmem:s15+$0x8400]  }
0xe7: {  	v17 =	vshll.u32 v0, v17;
	v15 =	vld [tilespmem:s15+$0x8060];
	v2 =	vor.u32 v61, v2;
	v7 =	vor.u32 v18, v7  }
0xe8: {  	v16 =	vshll.u32 v0, v16;
	v2 =	vor.u32 v19, v2;
	v7 =	vor.u32 v17, v7;
	v17 =	vld [tilespmem:s15+$0x8040]  }
0xe9: {  	s17 =	simm.s32 $0x200;
	v2 =	vor.u32 v60, v2;
	v7 =	vor.u32 v16, v7;
	v16 =	vld [tilespmem:s15+$0x8020]  }
.LBB2_8:
0xea: {  	p0 =	sne.s32 s17, $0x7E00;
	v18 =	vld [tilespmem:s15+$0x8000]  }
0xeb: {  	v20 =	vshll.u32 v0, v6;
	v21 =	vshll.u32 v0, v1;
	v19 =	vld [tilespmem:s15+$0x8010]  }
0xec: {  	v8 =	vshll.u32 v0, v8;
	v3 =	vshll.u32 v0, v3;
	v22 =	vshll.u32 v0, v5;
	v1 =	vld [tilespmem:s15+$0x8030]  }
0xed: {  	v6 =	vshll.u32 v0, v11;
	v9 =	vshll.u32 v0, v9;
	v4 =	vshll.u32 v0, v4;
	v5 =	vld [tilespmem:s15+$0x8050]  }
0xee: {  	v14 =	vshll.u32 v0, v14;
	v12 =	vshll.u32 v0, v12;
	v10 =	vshll.u32 v0, v10;
	v11 =	vld [tilespmem:s15+$0x8070]  }
0xef: {  	v13 =	vshll.u32 v0, v13;
	v15 =	vshll.u32 v0, v15;
	v17 =	vshll.u32 v0, v17;
	v23 =	vld [tilespmem:s15+$0x8410]  }
0xf0: {  	v16 =	vshll.u32 v0, v16;
	v18 =	vshll.u32 v0, v18;
	v19 =	vshll.u32 v0, v19;
	v24 =	vld [tilespmem:s15+$0x8430]  }
0xf1: {  	v2 =	vor.u32 v2, v18;
	v1 =	vshll.u32 v0, v1;
	v25 =	vld [tilespmem:s15+$0x8450];
	v7 =	vor.u32 v7, v19  }
0xf2: {  	v2 =	vor.u32 v16, v2;
	v5 =	vshll.u32 v0, v5;
	v18 =	vld [tilespmem:s15+$0x8470];
	v1 =	vor.u32 v1, v7  }
0xf3: {  	v2 =	vor.u32 v17, v2;
	v7 =	vshll.u32 v0, v11;
	v11 =	vld [tilespmem:s15+$0x8810];
	v1 =	vor.u32 v5, v1  }
0xf4: {  	v2 =	vor.u32 v15, v2;
	v5 =	vshll.u32 v0, v23;
	v16 =	vld [tilespmem:s15+$0x8830];
	v1 =	vor.u32 v7, v1  }
0xf5: {  	v2 =	vor.u32 v13, v2;
	v7 =	vshll.u32 v0, v24;
	v15 =	vld [tilespmem:s15+$0x8850];
	v1 =	vor.u32 v5, v1  }
0xf6: {  	v2 =	vor.u32 v14, v2;
	v5 =	vshll.u32 v0, v25;
	v13 =	vld [tilespmem:s15+$0x8870];
	v1 =	vor.u32 v7, v1  }
0xf7: {  	v2 =	vor.u32 v12, v2;
	v7 =	vshll.u32 v0, v18;
	v14 =	vld [tilespmem:s15+$0x8C10];
	v1 =	vor.u32 v5, v1  }
0xf8: {  	s16 =	sadd.s32 $0x80, s16;
	v2 =	vor.u32 v10, v2;
	v5 =	vshll.u32 v0, v11;
	v11 =	vld [tilespmem:s15+$0x8C30];
	v1 =	vor.u32 v7, v1  }
0xf9: {  	s18 =	sand.u32 $0x7000, s17;
	s19 =	sand.u32 $0x380, s16;
	v2 =	vor.u32 v6, v2;
	v7 =	vshll.u32 v0, v16;
	v10 =	vld [tilespmem:s15+$0x8C50];
	v1 =	vor.u32 v5, v1  }
0xfa: {  	v2 =	vor.u32 v9, v2;
	v5 =	vshll.u32 v0, v15;
	v12 =	vld [tilespmem:s15+$0x8C70];
	s15 =	sor.u32 s19, s18;
	v6 =	vor.u32 v7, v1  }
0xfb: {  	v2 =	vor.u32 v4, v2;
	v1 =	vld [tilespmem:s15+$0x8C60];
	v7 =	vshll.u32 v0, v13;
	v4 =	vor.u32 v5, v6  }
0xfc: {  	v2 =	vor.u32 v8, v2;
	v6 =	vld [tilespmem:s15+$0x8C40];
	v9 =	vshll.u32 v0, v14;
	v4 =	vor.u32 v7, v4  }
0xfd: {  	v2 =	vor.u32 v3, v2;
	v5 =	vld [tilespmem:s15+$0x8C20];
	v7 =	vshll.u32 v0, v11;
	v4 =	vor.u32 v9, v4  }
0xfe: {  	v2 =	vor.u32 v22, v2;
	v3 =	vld [tilespmem:s15+$0x8C00];
	v9 =	vshll.u32 v0, v10;
	v4 =	vor.u32 v7, v4  }
0xff: {  	v2 =	vor.u32 v20, v2;
	v8 =	vld [tilespmem:s15+$0x8860];
	v7 =	vshll.u32 v0, v12;
	v9 =	vor.u32 v9, v4  }
0x100: {  	v2 =	vor.u32 v21, v2;
	v4 =	vld [tilespmem:s15+$0x8840];
	v7 =	vor.u32 v7, v9  }
0x101: {  	v9 =	vld [tilespmem:s15+$0x8820]  }
0x102: {  	v11 =	vld [tilespmem:s15+$0x8800]  }
0x103: {  	v10 =	vld [tilespmem:s15+$0x8460]  }
0x104: {  	v12 =	vld [tilespmem:s15+$0x8440]  }
.Ltmp3:
0x105: {  	v14 =	vld [tilespmem:s15+$0x8420];
	(pc) =	sbr.rel @p0 .LBB2_8-.Ltmp3, $4  }
0x106: {  	v13 =	vld [tilespmem:s15+$0x8400]  }
0x107: {  	v15 =	vld [tilespmem:s15+$0x8060]  }
0x108: {  	v17 =	vld [tilespmem:s15+$0x8040]  }
0x109: {  	s17 =	sadd.s32 $0x200, s17;
	v16 =	vld [tilespmem:s15+$0x8020]  }
0x10a: {  	v18 =	vld [tilespmem:s15+$0x8000]  }
0x10b: {  	v19 =	vld [tilespmem:s15+$0x8010];
	v6 =	vshll.u32 v0, v6;
	v1 =	vshll.u32 v0, v1  }
0x10c: {  	v20 =	vld [tilespmem:s15+$0x8030];
	v8 =	vshll.u32 v0, v8;
	v3 =	vshll.u32 v0, v3;
	v5 =	vshll.u32 v0, v5  }
0x10d: {  	v21 =	vld [tilespmem:s15+$0x8050];
	v11 =	vshll.u32 v0, v11;
	v9 =	vshll.u32 v0, v9;
	v4 =	vshll.u32 v0, v4  }
0x10e: {  	v22 =	vld [tilespmem:s15+$0x8070];
	v14 =	vshll.u32 v0, v14;
	v12 =	vshll.u32 v0, v12;
	v10 =	vshll.u32 v0, v10  }
0x10f: {  	v23 =	vld [tilespmem:s15+$0x8410];
	v13 =	vshll.u32 v0, v13;
	v15 =	vshll.u32 v0, v15;
	v17 =	vshll.u32 v0, v17  }
0x110: {  	v24 =	vld [tilespmem:s15+$0x8430];
	v16 =	vshll.u32 v0, v16;
	v18 =	vshll.u32 v0, v18;
	v19 =	vshll.u32 v0, v19  }
0x111: {  	v25 =	vld [tilespmem:s15+$0x8450];
	v20 =	vshll.u32 v0, v20;
	v2 =	vor.u32 v2, v18;
	v7 =	vor.u32 v7, v19  }
0x112: {  	v41 =	vld [tilespmem:s15+$0x8470];
	v40 =	vshll.u32 v0, v21;
	v2 =	vor.u32 v16, v2;
	v7 =	vor.u32 v20, v7  }
0x113: {  	v43 =	vld [tilespmem:s15+$0x8810];
	v42 =	vshll.u32 v0, v22;
	v2 =	vor.u32 v17, v2;
	v7 =	vor.u32 v40, v7  }
0x114: {  	v45 =	vld [tilespmem:s15+$0x8830];
	v44 =	vshll.u32 v0, v23;
	v2 =	vor.u32 v15, v2;
	v7 =	vor.u32 v42, v7  }
0x115: {  	v47 =	vld [tilespmem:s15+$0x8850];
	v46 =	vshll.u32 v0, v24;
	v2 =	vor.u32 v13, v2;
	v7 =	vor.u32 v44, v7  }
0x116: {  	v49 =	vld [tilespmem:s15+$0x8870];
	v48 =	vshll.u32 v0, v25;
	v2 =	vor.u32 v14, v2;
	v7 =	vor.u32 v46, v7  }
0x117: {  	v51 =	vld [tilespmem:s15+$0x8C10];
	v50 =	vshll.u32 v0, v41;
	v2 =	vor.u32 v12, v2;
	v7 =	vor.u32 v48, v7  }
0x118: {  	v53 =	vld [tilespmem:s15+$0x8C30];
	v52 =	vshll.u32 v0, v43;
	v2 =	vor.u32 v10, v2;
	v7 =	vor.u32 v50, v7  }
0x119: {  	v55 =	vld [tilespmem:s15+$0x8C50];
	v54 =	vshll.u32 v0, v45;
	v2 =	vor.u32 v11, v2;
	v7 =	vor.u32 v52, v7  }
0x11a: {  	v57 =	vld [tilespmem:s15+$0x8C70];
	v56 =	vshll.u32 v0, v47;
	v2 =	vor.u32 v9, v2;
	v7 =	vor.u32 v54, v7  }
0x11b: {  	v58 =	vshll.u32 v0, v49;
	v2 =	vor.u32 v4, v2;
	v59 =	vor.u32 v56, v7  }
0x11c: {  	v60 =	vshll.u32 v0, v51;
	v2 =	vor.u32 v8, v2;
	v4 =	vor.u32 v58, v59  }
0x11d: {  	v61 =	vshll.u32 v0, v53;
	v2 =	vor.u32 v3, v2;
	v3 =	vor.u32 v60, v4  }
0x11e: {  	v62 =	vshll.u32 v0, v55;
	v2 =	vor.u32 v5, v2;
	v3 =	vor.u32 v61, v3  }
0x11f: {  	v63 =	vshll.u32 v0, v57;
	v2 =	vor.u32 v6, v2;
	v3 =	vor.u32 v62, v3  }
0x120: {  	s14 =	sadd.s32 $0x1, s14;
	v1 =	vor.u32 v1, v2;
	v2 =	vor.u32 v63, v3  }
0x121: {  	p0 =	sne.s32 s14, s8;
	v1 =	vor.u32 v1, v2  }
.Ltmp4:
0x122: {  	[tilespmem:$0x10000] =	vst v1;
	(pc) =	sbr.rel @p0 .LBB2_1-.Ltmp4, $4  }
0x123: {  	[hbm4b:s7+s2] =	stream.linear.scatter [tilespmem:s12], [sflag:$0x3], $0x80, $0x38;
	[tilespmem:$0x10080] =	vst v63  }
0x124: {  	_ =	swait.ge [sflag:s13], $0x80  }
0x125: {  	[sflag:s13] =	ssyncset.done $0x0  }
0x126: {  	[sflag:s13] =	ssyncadd.s32 $0xFFFFFF80  }
0x127: {  	_ =	sfence.sel $0x180000  }
0x128: {  	[bflag:$0x0] =	sbarrier.arrive $0xFFFF  }
0x129: {  	p0 =	sne.s32 s1, $0x0;
	_ =	strace $0x90000047  }
0x12a: {  	s0 =	sadd.s32 @!p0 $0x100000, s0;
	[bflag:$0x2] =	sbarrier.arrive $0xFFFF  }
0x12b: {  	[sflag:s0] =	ssyncadd.tile.s32 @!p0 $0x1;
	_ =	shalt  }
.Lfunc_end2:
_tile_overlayer_lowered:
.L_overlay_start_2:
0x12c: {  	(tag) =	ssettag $0x2  }
0x12d: {  	s0 =	rddreg [dreg:$0x0];
	s2 =	stileid.u32  }
0x12e: {  	s1 =	rddreg [dreg:$0x1];
	p0 =	sne.s32 s2, $0x0  }
0x12f: {  	s3 =	rddreg [dreg:$0x2];
	[bflag:$0x3] =	sbarrier.arrive $0xFFFF;
	s2 =	simm.s32 @!p0 $0x1C03  }
0x130: {  	[timem:s3], [sflag:s2] =	dma.local @!p0 [hbm:s0], s1  }
0x131: {  	s0 =	simm.s32 @!p0 $0x3  }
0x132: {  	_ =	swait.ge @!p0 [sflag:s0], s1  }
0x133: {  	s1 =	ssub.s32 @!p0 $0x0, s1;
	[sflag:s0] =	ssyncset.done @!p0 $0x0  }
0x134: {  	[sflag:s0] =	ssyncadd.s32 @!p0 s1  }
0x135: {  	[bflag:$0x3] =	sbarrier.arrive $0xFFFF  }
0x136: {  	_ =	shalt  }

</sc_bundles>
